<compile_context>
chip_gen: v7x
topology: tpu7x:2x2x1
jax: 0.10.2.dev20260603
libtpu: 0.0.44.dev20260713+nightly
codegen_flags: <defaults>
</compile_context>

<pallas_src>
import jax
import jax.numpy as jnp
from jax import lax
from jax.experimental import pallas as pl
from jax.experimental.pallas import tpu as pltpu
from jax.experimental.pallas import tpu_sc as plsc

_CUTOFF = 0.9
_KE = 14.399645

_E = 6_400_000
_N_ML = 100_000
_N_MM = 100_000
_NC = 2
_NS = 16
_NW = _NC * _NS
_EW = _E // _NW
_C = 2000
_ITERS = _EW // _C


def _body(qmz_tab, mxy_tab, mm_q,
          dists, idx_u, idx_v, vx_h, vy_h, vz_h, out, *s):
    bufs_a = s[0:10]
    bufs_b = s[10:20]
    qmz_s, mxy_s, mm_s, sem_i, sem_d, sem_g, sem_o = s[20:27]

    cid = lax.axis_index("c")
    sid = lax.axis_index("s")
    wid = sid * _NC + cid

    @pl.when(sid == 0)
    def _stage():
        pltpu.sync_copy(qmz_tab, qmz_s)
        pltpu.sync_copy(mxy_tab, mxy_s)
        pltpu.sync_copy(mm_q, mm_s)

    plsc.subcore_barrier()

    def issue_idx(ci, bs):
        base = wid * _EW + ci * _C
        pltpu.async_copy(idx_u.at[pl.ds(base, _C)], bs[0], sem_i)
        pltpu.async_copy(idx_v.at[pl.ds(base, _C)], bs[1], sem_i)

    def wait_idx(bs):
        pltpu.make_async_copy(idx_u.at[pl.ds(0, _C)], bs[0], sem_i).wait()
        pltpu.make_async_copy(idx_v.at[pl.ds(0, _C)], bs[1], sem_i).wait()

    def issue_dvec(ci, bs):
        base = wid * _EW + ci * _C
        pltpu.async_copy(dists.at[pl.ds(base, _C)], bs[2], sem_d)
        pltpu.async_copy(vx_h.at[pl.ds(base, _C)], bs[3], sem_d)
        pltpu.async_copy(vy_h.at[pl.ds(base, _C)], bs[4], sem_d)
        pltpu.async_copy(vz_h.at[pl.ds(base, _C)], bs[5], sem_d)

    def wait_dvec(bs):
        pltpu.make_async_copy(dists.at[pl.ds(0, _C)], bs[2], sem_d).wait()
        pltpu.make_async_copy(vx_h.at[pl.ds(0, _C)], bs[3], sem_d).wait()
        pltpu.make_async_copy(vy_h.at[pl.ds(0, _C)], bs[4], sem_d).wait()
        pltpu.make_async_copy(vz_h.at[pl.ds(0, _C)], bs[5], sem_d).wait()

    def issue_gathers(bs):
        pltpu.async_copy(qmz_s.at[bs[0]], bs[6], sem_g)
        pltpu.async_copy(mxy_s.at[bs[0]], bs[7], sem_g)
        pltpu.async_copy(mm_s.at[bs[1]], bs[8], sem_g)

    def wait_gathers(bs):
        pltpu.make_async_copy(qmz_s.at[bs[0]], bs[6], sem_g).wait()
        pltpu.make_async_copy(mxy_s.at[bs[0]], bs[7], sem_g).wait()
        pltpu.make_async_copy(mm_s.at[bs[1]], bs[8], sem_g).wait()

    def issue_out(ci, bs):
        base = wid * _EW + ci * _C
        pltpu.async_copy(bs[9], out.at[pl.ds(base, _C)], sem_o)

    def wait_out(bs):
        pltpu.make_async_copy(bs[9], out.at[pl.ds(0, _C)], sem_o).wait()

    _hi = jnp.full((16,), -65536, jnp.int32)

    def compute(bs):
        iu, iv, d_v, vx_v, vy_v, vz_v, qmz_v, mxy_v, qv_v, ov = bs

        def group(g, _):
            b = g * 16
            d = d_v[pl.ds(b, 16)]
            qv = qv_v[pl.ds(b, 16)]
            wq = plsc.bitcast(qmz_v[pl.ds(b, 16)], jnp.int32)
            wm = plsc.bitcast(mxy_v[pl.ds(b, 16)], jnp.int32)
            qu = plsc.bitcast(wq & _hi, jnp.float32)
            muz = plsc.bitcast(lax.shift_left(wq, 16), jnp.float32)
            mux = plsc.bitcast(wm & _hi, jnp.float32)
            muy = plsc.bitcast(lax.shift_left(wm, 16), jnp.float32)
            vx = vx_v[pl.ds(b, 16)]
            vy = vy_v[pl.ds(b, 16)]
            vz = vz_v[pl.ds(b, 16)]
            chi = 1.0 / d
            dot = vx * mux + vy * muy + vz * muz
            e = _KE * (chi * qv * (qu - dot * chi * chi))
            e = jnp.where(d <= _CUTOFF, e, jnp.zeros_like(e))
            ov[pl.ds(b, 16)] = e
            return 0

        lax.fori_loop(0, _C // 16, group, 0, unroll=False)

    issue_idx(0, bufs_a)
    issue_dvec(0, bufs_a)
    issue_idx(1, bufs_b)
    issue_dvec(1, bufs_b)
    wait_idx(bufs_a)
    issue_gathers(bufs_a)

    def chunk_iter(k, _):
        def run(cur, nxt):
            @pl.when(k + 1 < _ITERS)
            def _pref():
                wait_idx(nxt)
                issue_gathers(nxt)

            wait_gathers(cur)
            wait_dvec(cur)

            @pl.when(k >= 2)
            def _wo():
                wait_out(cur)

            compute(cur)
            issue_out(k, cur)

            @pl.when(k + 2 < _ITERS)
            def _next():
                issue_idx(k + 2, cur)
                issue_dvec(k + 2, cur)

        @pl.when(k % 2 == 0)
        def _even():
            run(bufs_a, bufs_b)

        @pl.when(k % 2 == 1)
        def _odd():
            run(bufs_b, bufs_a)

        return 0

    lax.fori_loop(0, _ITERS, chunk_iter, 0, unroll=False)
    wait_out(bufs_a)
    wait_out(bufs_b)


def kernel(mlmm_distances_uv, atomic_charges, reference_atomic_charges,
           mlmm_idx_u, mlmm_idx_v, mlmm_vectors_uv, atomic_dipoles):
    def _b16(x):
        h = lax.bitcast_convert_type(
            x.astype(jnp.bfloat16), jnp.uint16).astype(jnp.uint32)
        return h

    qmz_tab = lax.bitcast_convert_type(
        (_b16(atomic_charges) << 16) | _b16(atomic_dipoles[:, 2]),
        jnp.float32)
    mxy_tab = lax.bitcast_convert_type(
        (_b16(atomic_dipoles[:, 0]) << 16) | _b16(atomic_dipoles[:, 1]),
        jnp.float32)
    vx = mlmm_vectors_uv[:, 0]
    vy = mlmm_vectors_uv[:, 1]
    vz = mlmm_vectors_uv[:, 2]
    idx_u = mlmm_idx_u.astype(jnp.int32)
    idx_v = mlmm_idx_v.astype(jnp.int32)
    mesh = plsc.VectorSubcoreMesh(
        core_axis_name="c", subcore_axis_name="s",
        num_cores=_NC, num_subcores=_NS)

    def buf_set():
        return [
            pltpu.VMEM((_C,), jnp.int32),
            pltpu.VMEM((_C,), jnp.int32),
            pltpu.VMEM((_C,), jnp.float32),
            pltpu.VMEM((_C,), jnp.float32),
            pltpu.VMEM((_C,), jnp.float32),
            pltpu.VMEM((_C,), jnp.float32),
            pltpu.VMEM((_C,), jnp.float32),
            pltpu.VMEM((_C,), jnp.float32),
            pltpu.VMEM((_C,), jnp.float32),
            pltpu.VMEM((_C,), jnp.float32),
        ]

    f = pl.kernel(
        _body,
        out_type=jax.ShapeDtypeStruct((_E,), jnp.float32),
        mesh=mesh,
        compiler_params=pltpu.CompilerParams(needs_layout_passes=False),
        scratch_types=(
            buf_set() + buf_set() + [
                pltpu.VMEM_SHARED((_N_ML,), jnp.float32),
                pltpu.VMEM_SHARED((_N_ML,), jnp.float32),
                pltpu.VMEM_SHARED((_N_MM,), jnp.float32),
                pltpu.SemaphoreType.DMA,
                pltpu.SemaphoreType.DMA,
                pltpu.SemaphoreType.DMA,
                pltpu.SemaphoreType.DMA,
            ]
        ),
    )
    return f(qmz_tab, mxy_tab,
             reference_atomic_charges, mlmm_distances_uv,
             idx_u, idx_v, vx, vy, vz)

# --- scband reference (transcript-rebuilt; emitter-appended) ---
"""Pipeline reference for scband-mlmm-electrostatics-no-shift-70806830842319 (READ-ONLY COPY).

The authoritative reference and input builder live on the scoring server;
editing this copy changes nothing except your own understanding.
"""

import jax, jax.numpy as jnp
import numpy as np

CUTOFF = 0.9
KE = 14.399645


def setup_inputs(seed: int = 0) -> dict:
    key = jax.random.key(seed)
    ks = jax.random.split(key, 7)
    E = 6400000
    N_ML = 100000
    N_MM = 100000
    # distances: uniform, bounded away from zero to avoid 1/d blowup
    mlmm_distances_uv = jax.random.uniform(ks[0], (E,), dtype=jnp.float32, minval=0.01, maxval=1.0)
    atomic_charges = jax.random.normal(ks[1], (N_ML,), dtype=jnp.float32)
    reference_atomic_charges = jax.random.normal(ks[2], (N_MM,), dtype=jnp.float32)
    mlmm_idx_u = jax.random.randint(ks[3], (E,), 0, N_ML, dtype=jnp.int64) if jax.config.jax_enable_x64 else jax.random.randint(ks[3], (E,), 0, N_ML, dtype=jnp.int32)
    mlmm_idx_v = jax.random.randint(ks[4], (E,), 0, N_MM, dtype=jnp.int32)
    mlmm_vectors_uv = jax.random.normal(ks[5], (E, 3), dtype=jnp.float32)
    atomic_dipoles = jax.random.normal(ks[6], (N_ML, 3), dtype=jnp.float32)
    return {
        "mlmm_distances_uv": mlmm_distances_uv,
        "atomic_charges": atomic_charges,
        "reference_atomic_charges": reference_atomic_charges,
        "mlmm_idx_u": mlmm_idx_u,
        "mlmm_idx_v": mlmm_idx_v,
        "mlmm_vectors_uv": mlmm_vectors_uv,
        "atomic_dipoles": atomic_dipoles,
    }


def reference(mlmm_distances_uv, atomic_charges, reference_atomic_charges,
              mlmm_idx_u, mlmm_idx_v, mlmm_vectors_uv, atomic_dipoles):
    distances = mlmm_distances_uv
    chi = 1.0 / distances
    # gather per-pair charges (SparseCore-friendly gathers)
    ml_q_u = jnp.take(atomic_charges, mlmm_idx_u, axis=0)
    mm_q_v = jnp.take(reference_atomic_charges, mlmm_idx_v, axis=0)
    Eelec = ml_q_u * mm_q_v * chi
    # atomic_dipoles branch (enabled)
    chi2 = chi ** 2
    chi_vectors = mlmm_vectors_uv / distances[:, None]
    ml_mu_u = jnp.take(atomic_dipoles, mlmm_idx_u, axis=0)
    dot_vu = jnp.sum(chi_vectors * ml_mu_u, axis=1)
    Eelec = Eelec - mm_q_v * dot_vu * chi2
    Eelec = KE * Eelec
    Eelec = jnp.where(distances <= CUTOFF, Eelec, jnp.zeros_like(Eelec))
    return Eelec

if __name__ == "__main__":
    import jax
    _d = setup_inputs()
    print(jax.jit(kernel)(*tuple(_d.values())))

</pallas_src>

<mosaic_0001>
#map = affine_map<(d0, d1) -> (0)>
module attributes {stable_mosaic.version = 14 : i64} {
  func.func @_body(%arg0: i32, %arg1: i32, %arg2: memref<100000xf32, #tpu.memory_space<hbm>>, %arg3: memref<100000xf32, #tpu.memory_space<hbm>>, %arg4: memref<100000xf32, #tpu.memory_space<hbm>>, %arg5: memref<6400000xf32, #tpu.memory_space<hbm>>, %arg6: memref<6400000xi32, #tpu.memory_space<hbm>>, %arg7: memref<6400000xi32, #tpu.memory_space<hbm>>, %arg8: memref<6400000xf32, #tpu.memory_space<hbm>>, %arg9: memref<6400000xf32, #tpu.memory_space<hbm>>, %arg10: memref<6400000xf32, #tpu.memory_space<hbm>>, %arg11: memref<6400000xf32, #tpu.memory_space<hbm>>, %arg12: memref<2000xi32, #tpu.memory_space<vmem>>, %arg13: memref<2000xi32, #tpu.memory_space<vmem>>, %arg14: memref<2000xf32, #tpu.memory_space<vmem>>, %arg15: memref<2000xf32, #tpu.memory_space<vmem>>, %arg16: memref<2000xf32, #tpu.memory_space<vmem>>, %arg17: memref<2000xf32, #tpu.memory_space<vmem>>, %arg18: memref<2000xf32, #tpu.memory_space<vmem>>, %arg19: memref<2000xf32, #tpu.memory_space<vmem>>, %arg20: memref<2000xf32, #tpu.memory_space<vmem>>, %arg21: memref<2000xf32, #tpu.memory_space<vmem>>, %arg22: memref<2000xi32, #tpu.memory_space<vmem>>, %arg23: memref<2000xi32, #tpu.memory_space<vmem>>, %arg24: memref<2000xf32, #tpu.memory_space<vmem>>, %arg25: memref<2000xf32, #tpu.memory_space<vmem>>, %arg26: memref<2000xf32, #tpu.memory_space<vmem>>, %arg27: memref<2000xf32, #tpu.memory_space<vmem>>, %arg28: memref<2000xf32, #tpu.memory_space<vmem>>, %arg29: memref<2000xf32, #tpu.memory_space<vmem>>, %arg30: memref<2000xf32, #tpu.memory_space<vmem>>, %arg31: memref<2000xf32, #tpu.memory_space<vmem>>, %arg32: memref<100000xf32, #tpu.memory_space<vmem_shared>>, %arg33: memref<100000xf32, #tpu.memory_space<vmem_shared>>, %arg34: memref<100000xf32, #tpu.memory_space<vmem_shared>>, %arg35: memref<!tpu.dma_semaphore, #tpu.memory_space<semaphore_mem>>, %arg36: memref<!tpu.dma_semaphore, #tpu.memory_space<semaphore_mem>>, %arg37: memref<!tpu.dma_semaphore, #tpu.memory_space<semaphore_mem>>, %arg38: memref<!tpu.dma_semaphore, #tpu.memory_space<semaphore_mem>>) attributes {dimension_semantics = [#tpu.dimension_semantics<core_parallel>, #tpu.dimension_semantics<subcore_parallel>], iteration_bounds = array<i64: 2, 16>, scalar_prefetch = 0 : i64, scratch_operands = 27 : i64, tpu.core_type = #tpu.core_type<sc_vector_subcore>, window_params = [{transform_indices = #map}, {transform_indices = #map}, {transform_indices = #map}, {transform_indices = #map}, {transform_indices = #map}, {transform_indices = #map}, {transform_indices = #map}, {transform_indices = #map}, {transform_indices = #map}, {transform_indices = #map}]} {
    %mul3A = arith.constant 2 : i32
    %mul3A_0 = arith.muli %arg1, %mul3A : i32
    %add3A = arith.addi %mul3A_0, %arg0 : i32
    %eq3A = arith.constant 0 : i32
    %eq3A_1 = arith.cmpi eq, %arg1, %eq3A : i32
    %convert_element_type3A = arith.extui %eq3A_1 : i1 to i32
    %cond3A = arith.constant 0 : i32
    %cond3A_2 = arith.cmpi ne, %convert_element_type3A, %cond3A : i32
    scf.if %cond3A_2 {
      "tpu.region"() ({
        %run_scoped3A = tpu.sem_alloc : memref<!tpu.dma_semaphore, #tpu.memory_space<semaphore_mem>>
        tpu.enqueue_dma source(%arg2 : memref<100000xf32, #tpu.memory_space<hbm>>) target(%arg32 : memref<100000xf32, #tpu.memory_space<vmem_shared>>) target_semaphore(%run_scoped3A : memref<!tpu.dma_semaphore, #tpu.memory_space<semaphore_mem>>)
        tpu.wait_dma2 semaphore(%run_scoped3A : memref<!tpu.dma_semaphore, #tpu.memory_space<semaphore_mem>>) src(%arg2 : memref<100000xf32, #tpu.memory_space<hbm>>) dst(%arg32 : memref<100000xf32, #tpu.memory_space<vmem_shared>>)
        tpu.yield
      }) : () -> ()
      "tpu.region"() ({
        %run_scoped3A = tpu.sem_alloc : memref<!tpu.dma_semaphore, #tpu.memory_space<semaphore_mem>>
        tpu.enqueue_dma source(%arg3 : memref<100000xf32, #tpu.memory_space<hbm>>) target(%arg33 : memref<100000xf32, #tpu.memory_space<vmem_shared>>) target_semaphore(%run_scoped3A : memref<!tpu.dma_semaphore, #tpu.memory_space<semaphore_mem>>)
        tpu.wait_dma2 semaphore(%run_scoped3A : memref<!tpu.dma_semaphore, #tpu.memory_space<semaphore_mem>>) src(%arg3 : memref<100000xf32, #tpu.memory_space<hbm>>) dst(%arg33 : memref<100000xf32, #tpu.memory_space<vmem_shared>>)
        tpu.yield
      }) : () -> ()
      "tpu.region"() ({
        %run_scoped3A = tpu.sem_alloc : memref<!tpu.dma_semaphore, #tpu.memory_space<semaphore_mem>>
        tpu.enqueue_dma source(%arg4 : memref<100000xf32, #tpu.memory_space<hbm>>) target(%arg34 : memref<100000xf32, #tpu.memory_space<vmem_shared>>) target_semaphore(%run_scoped3A : memref<!tpu.dma_semaphore, #tpu.memory_space<semaphore_mem>>)
        tpu.wait_dma2 semaphore(%run_scoped3A : memref<!tpu.dma_semaphore, #tpu.memory_space<semaphore_mem>>) src(%arg4 : memref<100000xf32, #tpu.memory_space<hbm>>) dst(%arg34 : memref<100000xf32, #tpu.memory_space<vmem_shared>>)
        tpu.yield
      }) : () -> ()
    } else {
    }
    %barrier3A = arith.constant 0 : index
    tpu.barrier barrier_id(%barrier3A)
    %broadcast_in_dim3A = arith.constant -65536 : i32
    %broadcast_in_dim3A_3 = vector.broadcast %broadcast_in_dim3A : i32 to vector<16xi32>
    %mul3A_4 = arith.constant 200000 : i32
    %mul3A_5 = arith.muli %add3A, %mul3A_4 : i32
    %add3A_6 = arith.constant 0 : i32
    %add3A_7 = arith.addi %mul3A_5, %add3A_6 : i32
    %dma_start3A = tpu.memref_slice %arg6[%add3A_7] : memref<6400000xi32, #tpu.memory_space<hbm>> -> memref<2000xi32, #tpu.memory_space<hbm>>
    %dma_start3A_8 = tpu.memref_slice %arg6[%add3A_7] : memref<6400000xi32, #tpu.memory_space<hbm>> -> memref<2000xi32, #tpu.memory_space<hbm>>
    tpu.enqueue_dma source(%dma_start3A_8 : memref<2000xi32, #tpu.memory_space<hbm>>) target(%arg12 : memref<2000xi32, #tpu.memory_space<vmem>>) target_semaphore(%arg35 : memref<!tpu.dma_semaphore, #tpu.memory_space<semaphore_mem>>)
    %dma_start3A_9 = tpu.memref_slice %arg7[%add3A_7] : memref<6400000xi32, #tpu.memory_space<hbm>> -> memref<2000xi32, #tpu.memory_space<hbm>>
    %dma_start3A_10 = tpu.memref_slice %arg7[%add3A_7] : memref<6400000xi32, #tpu.memory_space<hbm>> -> memref<2000xi32, #tpu.memory_space<hbm>>
    tpu.enqueue_dma source(%dma_start3A_10 : memref<2000xi32, #tpu.memory_space<hbm>>) target(%arg13 : memref<2000xi32, #tpu.memory_space<vmem>>) target_semaphore(%arg35 : memref<!tpu.dma_semaphore, #tpu.memory_space<semaphore_mem>>)
    %mul3A_11 = arith.constant 200000 : i32
    %mul3A_12 = arith.muli %add3A, %mul3A_11 : i32
    %add3A_13 = arith.constant 0 : i32
    %add3A_14 = arith.addi %mul3A_12, %add3A_13 : i32
    %dma_start3A_15 = tpu.memref_slice %arg5[%add3A_14] : memref<6400000xf32, #tpu.memory_space<hbm>> -> memref<2000xf32, #tpu.memory_space<hbm>>
    %dma_start3A_16 = tpu.memref_slice %arg5[%add3A_14] : memref<6400000xf32, #tpu.memory_space<hbm>> -> memref<2000xf32, #tpu.memory_space<hbm>>
    tpu.enqueue_dma source(%dma_start3A_16 : memref<2000xf32, #tpu.memory_space<hbm>>) target(%arg14 : memref<2000xf32, #tpu.memory_space<vmem>>) target_semaphore(%arg36 : memref<!tpu.dma_semaphore, #tpu.memory_space<semaphore_mem>>)
    %dma_start3A_17 = tpu.memref_slice %arg8[%add3A_14] : memref<6400000xf32, #tpu.memory_space<hbm>> -> memref<2000xf32, #tpu.memory_space<hbm>>
    %dma_start3A_18 = tpu.memref_slice %arg8[%add3A_14] : memref<6400000xf32, #tpu.memory_space<hbm>> -> memref<2000xf32, #tpu.memory_space<hbm>>
    tpu.enqueue_dma source(%dma_start3A_18 : memref<2000xf32, #tpu.memory_space<hbm>>) target(%arg15 : memref<2000xf32, #tpu.memory_space<vmem>>) target_semaphore(%arg36 : memref<!tpu.dma_semaphore, #tpu.memory_space<semaphore_mem>>)
    %dma_start3A_19 = tpu.memref_slice %arg9[%add3A_14] : memref<6400000xf32, #tpu.memory_space<hbm>> -> memref<2000xf32, #tpu.memory_space<hbm>>
    %dma_start3A_20 = tpu.memref_slice %arg9[%add3A_14] : memref<6400000xf32, #tpu.memory_space<hbm>> -> memref<2000xf32, #tpu.memory_space<hbm>>
    tpu.enqueue_dma source(%dma_start3A_20 : memref<2000xf32, #tpu.memory_space<hbm>>) target(%arg16 : memref<2000xf32, #tpu.memory_space<vmem>>) target_semaphore(%arg36 : memref<!tpu.dma_semaphore, #tpu.memory_space<semaphore_mem>>)
    %dma_start3A_21 = tpu.memref_slice %arg10[%add3A_14] : memref<6400000xf32, #tpu.memory_space<hbm>> -> memref<2000xf32, #tpu.memory_space<hbm>>
    %dma_start3A_22 = tpu.memref_slice %arg10[%add3A_14] : memref<6400000xf32, #tpu.memory_space<hbm>> -> memref<2000xf32, #tpu.memory_space<hbm>>
    tpu.enqueue_dma source(%dma_start3A_22 : memref<2000xf32, #tpu.memory_space<hbm>>) target(%arg17 : memref<2000xf32, #tpu.memory_space<vmem>>) target_semaphore(%arg36 : memref<!tpu.dma_semaphore, #tpu.memory_space<semaphore_mem>>)
    %mul3A_23 = arith.constant 200000 : i32
    %mul3A_24 = arith.muli %add3A, %mul3A_23 : i32
    %add3A_25 = arith.constant 2000 : i32
    %add3A_26 = arith.addi %mul3A_24, %add3A_25 : i32
    %dma_start3A_27 = tpu.memref_slice %arg6[%add3A_26] : memref<6400000xi32, #tpu.memory_space<hbm>> -> memref<2000xi32, #tpu.memory_space<hbm>>
    %dma_start3A_28 = tpu.memref_slice %arg6[%add3A_26] : memref<6400000xi32, #tpu.memory_space<hbm>> -> memref<2000xi32, #tpu.memory_space<hbm>>
    tpu.enqueue_dma source(%dma_start3A_28 : memref<2000xi32, #tpu.memory_space<hbm>>) target(%arg22 : memref<2000xi32, #tpu.memory_space<vmem>>) target_semaphore(%arg35 : memref<!tpu.dma_semaphore, #tpu.memory_space<semaphore_mem>>)
    %dma_start3A_29 = tpu.memref_slice %arg7[%add3A_26] : memref<6400000xi32, #tpu.memory_space<hbm>> -> memref<2000xi32, #tpu.memory_space<hbm>>
    %dma_start3A_30 = tpu.memref_slice %arg7[%add3A_26] : memref<6400000xi32, #tpu.memory_space<hbm>> -> memref<2000xi32, #tpu.memory_space<hbm>>
    tpu.enqueue_dma source(%dma_start3A_30 : memref<2000xi32, #tpu.memory_space<hbm>>) target(%arg23 : memref<2000xi32, #tpu.memory_space<vmem>>) target_semaphore(%arg35 : memref<!tpu.dma_semaphore, #tpu.memory_space<semaphore_mem>>)
    %mul3A_31 = arith.constant 200000 : i32
    %mul3A_32 = arith.muli %add3A, %mul3A_31 : i32
    %add3A_33 = arith.constant 2000 : i32
    %add3A_34 = arith.addi %mul3A_32, %add3A_33 : i32
    %dma_start3A_35 = tpu.memref_slice %arg5[%add3A_34] : memref<6400000xf32, #tpu.memory_space<hbm>> -> memref<2000xf32, #tpu.memory_space<hbm>>
    %dma_start3A_36 = tpu.memref_slice %arg5[%add3A_34] : memref<6400000xf32, #tpu.memory_space<hbm>> -> memref<2000xf32, #tpu.memory_space<hbm>>
    tpu.enqueue_dma source(%dma_start3A_36 : memref<2000xf32, #tpu.memory_space<hbm>>) target(%arg24 : memref<2000xf32, #tpu.memory_space<vmem>>) target_semaphore(%arg36 : memref<!tpu.dma_semaphore, #tpu.memory_space<semaphore_mem>>)
    %dma_start3A_37 = tpu.memref_slice %arg8[%add3A_34] : memref<6400000xf32, #tpu.memory_space<hbm>> -> memref<2000xf32, #tpu.memory_space<hbm>>
    %dma_start3A_38 = tpu.memref_slice %arg8[%add3A_34] : memref<6400000xf32, #tpu.memory_space<hbm>> -> memref<2000xf32, #tpu.memory_space<hbm>>
    tpu.enqueue_dma source(%dma_start3A_38 : memref<2000xf32, #tpu.memory_space<hbm>>) target(%arg25 : memref<2000xf32, #tpu.memory_space<vmem>>) target_semaphore(%arg36 : memref<!tpu.dma_semaphore, #tpu.memory_space<semaphore_mem>>)
    %dma_start3A_39 = tpu.memref_slice %arg9[%add3A_34] : memref<6400000xf32, #tpu.memory_space<hbm>> -> memref<2000xf32, #tpu.memory_space<hbm>>
    %dma_start3A_40 = tpu.memref_slice %arg9[%add3A_34] : memref<6400000xf32, #tpu.memory_space<hbm>> -> memref<2000xf32, #tpu.memory_space<hbm>>
    tpu.enqueue_dma source(%dma_start3A_40 : memref<2000xf32, #tpu.memory_space<hbm>>) target(%arg26 : memref<2000xf32, #tpu.memory_space<vmem>>) target_semaphore(%arg36 : memref<!tpu.dma_semaphore, #tpu.memory_space<semaphore_mem>>)
    %dma_start3A_41 = tpu.memref_slice %arg10[%add3A_34] : memref<6400000xf32, #tpu.memory_space<hbm>> -> memref<2000xf32, #tpu.memory_space<hbm>>
    %dma_start3A_42 = tpu.memref_slice %arg10[%add3A_34] : memref<6400000xf32, #tpu.memory_space<hbm>> -> memref<2000xf32, #tpu.memory_space<hbm>>
    tpu.enqueue_dma source(%dma_start3A_42 : memref<2000xf32, #tpu.memory_space<hbm>>) target(%arg27 : memref<2000xf32, #tpu.memory_space<vmem>>) target_semaphore(%arg36 : memref<!tpu.dma_semaphore, #tpu.memory_space<semaphore_mem>>)
    %dma_wait3A = arith.constant 0 : i32
    %dma_wait3A_43 = tpu.memref_slice %arg6[%dma_wait3A] : memref<6400000xi32, #tpu.memory_space<hbm>> -> memref<2000xi32, #tpu.memory_space<hbm>>
    %dma_wait3A_44 = arith.constant 0 : i32
    %dma_wait3A_45 = tpu.memref_slice %arg6[%dma_wait3A_44] : memref<6400000xi32, #tpu.memory_space<hbm>> -> memref<2000xi32, #tpu.memory_space<hbm>>
    tpu.wait_dma2 semaphore(%arg35 : memref<!tpu.dma_semaphore, #tpu.memory_space<semaphore_mem>>) src(%dma_wait3A_45 : memref<2000xi32, #tpu.memory_space<hbm>>) dst(%arg12 : memref<2000xi32, #tpu.memory_space<vmem>>)
    %dma_wait3A_46 = arith.constant 0 : i32
    %dma_wait3A_47 = tpu.memref_slice %arg7[%dma_wait3A_46] : memref<6400000xi32, #tpu.memory_space<hbm>> -> memref<2000xi32, #tpu.memory_space<hbm>>
    %dma_wait3A_48 = arith.constant 0 : i32
    %dma_wait3A_49 = tpu.memref_slice %arg7[%dma_wait3A_48] : memref<6400000xi32, #tpu.memory_space<hbm>> -> memref<2000xi32, #tpu.memory_space<hbm>>
    tpu.wait_dma2 semaphore(%arg35 : memref<!tpu.dma_semaphore, #tpu.memory_space<semaphore_mem>>) src(%dma_wait3A_49 : memref<2000xi32, #tpu.memory_space<hbm>>) dst(%arg13 : memref<2000xi32, #tpu.memory_space<vmem>>)
    %dma_start3A_50 = arith.constant 0 : i32
    %dma_start3A_51 = tpu.memref_slice %arg32[%dma_start3A_50] : memref<100000xf32, #tpu.memory_space<vmem_shared>> -> memref<100000xf32, #tpu.memory_space<vmem_shared>>
    tpu.enqueue_indirect_dma source(%dma_start3A_51 : memref<100000xf32, #tpu.memory_space<vmem_shared>>) target(%arg18 : memref<2000xf32, #tpu.memory_space<vmem>>) offsets(%arg12 : memref<2000xi32, #tpu.memory_space<vmem>>) semaphore(%arg37 : memref<!tpu.dma_semaphore, #tpu.memory_space<semaphore_mem>>)
    %dma_start3A_52 = arith.constant 0 : i32
    %dma_start3A_53 = tpu.memref_slice %arg33[%dma_start3A_52] : memref<100000xf32, #tpu.memory_space<vmem_shared>> -> memref<100000xf32, #tpu.memory_space<vmem_shared>>
    tpu.enqueue_indirect_dma source(%dma_start3A_53 : memref<100000xf32, #tpu.memory_space<vmem_shared>>) target(%arg19 : memref<2000xf32, #tpu.memory_space<vmem>>) offsets(%arg12 : memref<2000xi32, #tpu.memory_space<vmem>>) semaphore(%arg37 : memref<!tpu.dma_semaphore, #tpu.memory_space<semaphore_mem>>)
    %dma_start3A_54 = arith.constant 0 : i32
    %dma_start3A_55 = tpu.memref_slice %arg34[%dma_start3A_54] : memref<100000xf32, #tpu.memory_space<vmem_shared>> -> memref<100000xf32, #tpu.memory_space<vmem_shared>>
    tpu.enqueue_indirect_dma source(%dma_start3A_55 : memref<100000xf32, #tpu.memory_space<vmem_shared>>) target(%arg20 : memref<2000xf32, #tpu.memory_space<vmem>>) offsets(%arg13 : memref<2000xi32, #tpu.memory_space<vmem>>) semaphore(%arg37 : memref<!tpu.dma_semaphore, #tpu.memory_space<semaphore_mem>>)
    %scan3A = arith.constant 0 : i32
    %scan3A_56 = arith.constant 0 : i32
    %scan3A_57 = arith.constant 100 : i32
    %scan3A_58 = arith.addi %scan3A_56, %scan3A_57 : i32
    %scan3A_59 = arith.constant 1 : i32
    %scan3A_60 = scf.for %scan3A_70 = %scan3A_56 to %scan3A_58 step %scan3A_59 iter_args(%scan3A_71 = %scan3A) -> (i32)  : i32 {
      %jit3A = arith.constant 2 : i32
      %eq3A_72 = arith.constant 0 : i32
      %eq3A_73 = arith.cmpi eq, %jit3A, %eq3A_72 : i32
      %jit3A_74 = arith.constant 1 : i32
      %select_n3A = arith.select %eq3A_73, %jit3A_74, %jit3A : i32
      %rem3A = arith.remsi %scan3A_70, %select_n3A : i32
      %ne3A = arith.constant 0 : i32
      %ne3A_75 = arith.cmpi ne, %rem3A, %ne3A : i32
      %lt3A = arith.constant 0 : i32
      %lt3A_76 = arith.cmpi slt, %rem3A, %lt3A : i32
      %lt3A_77 = arith.constant 0 : i32
      %lt3A_78 = arith.cmpi slt, %select_n3A, %lt3A_77 : i32
      %ne3A_79 = arith.xori %lt3A_76, %lt3A_78 : i1
      %and3A = arith.andi %ne3A_79, %ne3A_75 : i1
      %add3A_80 = arith.addi %rem3A, %select_n3A : i32
      %select_n3A_81 = arith.select %and3A, %add3A_80, %rem3A : i32
      %eq3A_82 = arith.constant 0 : i32
      %eq3A_83 = arith.cmpi eq, %select_n3A_81, %eq3A_82 : i32
      %convert_element_type3A_84 = arith.extui %eq3A_83 : i1 to i32
      %cond3A_85 = arith.constant 0 : i32
      %cond3A_86 = arith.cmpi ne, %convert_element_type3A_84, %cond3A_85 : i32
      scf.if %cond3A_86 {
        %add3A_109 = arith.constant 1 : i32
        %add3A_110 = arith.addi %scan3A_70, %add3A_109 : i32
        %lt3A_111 = arith.constant 100 : i32
        %lt3A_112 = arith.cmpi slt, %add3A_110, %lt3A_111 : i32
        %convert_element_type3A_113 = arith.extui %lt3A_112 : i1 to i32
        %cond3A_114 = arith.constant 0 : i32
        %cond3A_115 = arith.cmpi ne, %convert_element_type3A_113, %cond3A_114 : i32
        scf.if %cond3A_115 {
          %dma_wait3A_163 = arith.constant 0 : i32
          %dma_wait3A_164 = tpu.memref_slice %arg6[%dma_wait3A_163] : memref<6400000xi32, #tpu.memory_space<hbm>> -> memref<2000xi32, #tpu.memory_space<hbm>>
          %dma_wait3A_165 = arith.constant 0 : i32
          %dma_wait3A_166 = tpu.memref_slice %arg6[%dma_wait3A_165] : memref<6400000xi32, #tpu.memory_space<hbm>> -> memref<2000xi32, #tpu.memory_space<hbm>>
          tpu.wait_dma2 semaphore(%arg35 : memref<!tpu.dma_semaphore, #tpu.memory_space<semaphore_mem>>) src(%dma_wait3A_166 : memref<2000xi32, #tpu.memory_space<hbm>>) dst(%arg22 : memref<2000xi32, #tpu.memory_space<vmem>>)
          %dma_wait3A_167 = arith.constant 0 : i32
          %dma_wait3A_168 = tpu.memref_slice %arg7[%dma_wait3A_167] : memref<6400000xi32, #tpu.memory_space<hbm>> -> memref<2000xi32, #tpu.memory_space<hbm>>
          %dma_wait3A_169 = arith.constant 0 : i32
          %dma_wait3A_170 = tpu.memref_slice %arg7[%dma_wait3A_169] : memref<6400000xi32, #tpu.memory_space<hbm>> -> memref<2000xi32, #tpu.memory_space<hbm>>
          tpu.wait_dma2 semaphore(%arg35 : memref<!tpu.dma_semaphore, #tpu.memory_space<semaphore_mem>>) src(%dma_wait3A_170 : memref<2000xi32, #tpu.memory_space<hbm>>) dst(%arg23 : memref<2000xi32, #tpu.memory_space<vmem>>)
          %dma_start3A_171 = arith.constant 0 : i32
          %dma_start3A_172 = tpu.memref_slice %arg32[%dma_start3A_171] : memref<100000xf32, #tpu.memory_space<vmem_shared>> -> memref<100000xf32, #tpu.memory_space<vmem_shared>>
          tpu.enqueue_indirect_dma source(%dma_start3A_172 : memref<100000xf32, #tpu.memory_space<vmem_shared>>) target(%arg28 : memref<2000xf32, #tpu.memory_space<vmem>>) offsets(%arg22 : memref<2000xi32, #tpu.memory_space<vmem>>) semaphore(%arg37 : memref<!tpu.dma_semaphore, #tpu.memory_space<semaphore_mem>>)
          %dma_start3A_173 = arith.constant 0 : i32
          %dma_start3A_174 = tpu.memref_slice %arg33[%dma_start3A_173] : memref<100000xf32, #tpu.memory_space<vmem_shared>> -> memref<100000xf32, #tpu.memory_space<vmem_shared>>
          tpu.enqueue_indirect_dma source(%dma_start3A_174 : memref<100000xf32, #tpu.memory_space<vmem_shared>>) target(%arg29 : memref<2000xf32, #tpu.memory_space<vmem>>) offsets(%arg22 : memref<2000xi32, #tpu.memory_space<vmem>>) semaphore(%arg37 : memref<!tpu.dma_semaphore, #tpu.memory_space<semaphore_mem>>)
          %dma_start3A_175 = arith.constant 0 : i32
          %dma_start3A_176 = tpu.memref_slice %arg34[%dma_start3A_175] : memref<100000xf32, #tpu.memory_space<vmem_shared>> -> memref<100000xf32, #tpu.memory_space<vmem_shared>>
          tpu.enqueue_indirect_dma source(%dma_start3A_176 : memref<100000xf32, #tpu.memory_space<vmem_shared>>) target(%arg30 : memref<2000xf32, #tpu.memory_space<vmem>>) offsets(%arg23 : memref<2000xi32, #tpu.memory_space<vmem>>) semaphore(%arg37 : memref<!tpu.dma_semaphore, #tpu.memory_space<semaphore_mem>>)
        } else {
        }
        %dma_wait3A_116 = arith.constant 0 : i32
        %dma_wait3A_117 = tpu.memref_slice %arg32[%dma_wait3A_116] : memref<100000xf32, #tpu.memory_space<vmem_shared>> -> memref<100000xf32, #tpu.memory_space<vmem_shared>>
        tpu.wait_indirect_dma semaphore(%arg37 : memref<!tpu.dma_semaphore, #tpu.memory_space<semaphore_mem>>) src(%dma_wait3A_117 : memref<100000xf32, #tpu.memory_space<vmem_shared>>) dst(%arg18 : memref<2000xf32, #tpu.memory_space<vmem>>)
        %dma_wait3A_118 = arith.constant 0 : i32
        %dma_wait3A_119 = tpu.memref_slice %arg33[%dma_wait3A_118] : memref<100000xf32, #tpu.memory_space<vmem_shared>> -> memref<100000xf32, #tpu.memory_space<vmem_shared>>
        tpu.wait_indirect_dma semaphore(%arg37 : memref<!tpu.dma_semaphore, #tpu.memory_space<semaphore_mem>>) src(%dma_wait3A_119 : memref<100000xf32, #tpu.memory_space<vmem_shared>>) dst(%arg19 : memref<2000xf32, #tpu.memory_space<vmem>>)
        %dma_wait3A_120 = arith.constant 0 : i32
        %dma_wait3A_121 = tpu.memref_slice %arg34[%dma_wait3A_120] : memref<100000xf32, #tpu.memory_space<vmem_shared>> -> memref<100000xf32, #tpu.memory_space<vmem_shared>>
        tpu.wait_indirect_dma semaphore(%arg37 : memref<!tpu.dma_semaphore, #tpu.memory_space<semaphore_mem>>) src(%dma_wait3A_121 : memref<100000xf32, #tpu.memory_space<vmem_shared>>) dst(%arg20 : memref<2000xf32, #tpu.memory_space<vmem>>)
        %dma_wait3A_122 = arith.constant 0 : i32
        %dma_wait3A_123 = tpu.memref_slice %arg5[%dma_wait3A_122] : memref<6400000xf32, #tpu.memory_space<hbm>> -> memref<2000xf32, #tpu.memory_space<hbm>>
        %dma_wait3A_124 = arith.constant 0 : i32
        %dma_wait3A_125 = tpu.memref_slice %arg5[%dma_wait3A_124] : memref<6400000xf32, #tpu.memory_space<hbm>> -> memref<2000xf32, #tpu.memory_space<hbm>>
        tpu.wait_dma2 semaphore(%arg36 : memref<!tpu.dma_semaphore, #tpu.memory_space<semaphore_mem>>) src(%dma_wait3A_125 : memref<2000xf32, #tpu.memory_space<hbm>>) dst(%arg14 : memref<2000xf32, #tpu.memory_space<vmem>>)
        %dma_wait3A_126 = arith.constant 0 : i32
        %dma_wait3A_127 = tpu.memref_slice %arg8[%dma_wait3A_126] : memref<6400000xf32, #tpu.memory_space<hbm>> -> memref<2000xf32, #tpu.memory_space<hbm>>
        %dma_wait3A_128 = arith.constant 0 : i32
        %dma_wait3A_129 = tpu.memref_slice %arg8[%dma_wait3A_128] : memref<6400000xf32, #tpu.memory_space<hbm>> -> memref<2000xf32, #tpu.memory_space<hbm>>
        tpu.wait_dma2 semaphore(%arg36 : memref<!tpu.dma_semaphore, #tpu.memory_space<semaphore_mem>>) src(%dma_wait3A_129 : memref<2000xf32, #tpu.memory_space<hbm>>) dst(%arg15 : memref<2000xf32, #tpu.memory_space<vmem>>)
        %dma_wait3A_130 = arith.constant 0 : i32
        %dma_wait3A_131 = tpu.memref_slice %arg9[%dma_wait3A_130] : memref<6400000xf32, #tpu.memory_space<hbm>> -> memref<2000xf32, #tpu.memory_space<hbm>>
        %dma_wait3A_132 = arith.constant 0 : i32
        %dma_wait3A_133 = tpu.memref_slice %arg9[%dma_wait3A_132] : memref<6400000xf32, #tpu.memory_space<hbm>> -> memref<2000xf32, #tpu.memory_space<hbm>>
        tpu.wait_dma2 semaphore(%arg36 : memref<!tpu.dma_semaphore, #tpu.memory_space<semaphore_mem>>) src(%dma_wait3A_133 : memref<2000xf32, #tpu.memory_space<hbm>>) dst(%arg16 : memref<2000xf32, #tpu.memory_space<vmem>>)
        %dma_wait3A_134 = arith.constant 0 : i32
        %dma_wait3A_135 = tpu.memref_slice %arg10[%dma_wait3A_134] : memref<6400000xf32, #tpu.memory_space<hbm>> -> memref<2000xf32, #tpu.memory_space<hbm>>
        %dma_wait3A_136 = arith.constant 0 : i32
        %dma_wait3A_137 = tpu.memref_slice %arg10[%dma_wait3A_136] : memref<6400000xf32, #tpu.memory_space<hbm>> -> memref<2000xf32, #tpu.memory_space<hbm>>
        tpu.wait_dma2 semaphore(%arg36 : memref<!tpu.dma_semaphore, #tpu.memory_space<semaphore_mem>>) src(%dma_wait3A_137 : memref<2000xf32, #tpu.memory_space<hbm>>) dst(%arg17 : memref<2000xf32, #tpu.memory_space<vmem>>)
        %ge3A = arith.constant 2 : i32
        %ge3A_138 = arith.cmpi sge, %scan3A_70, %ge3A : i32
        %convert_element_type3A_139 = arith.extui %ge3A_138 : i1 to i32
        %cond3A_140 = arith.constant 0 : i32
        %cond3A_141 = arith.cmpi ne, %convert_element_type3A_139, %cond3A_140 : i32
        scf.if %cond3A_141 {
          %dma_wait3A_163 = arith.constant 0 : i32
          %dma_wait3A_164 = tpu.memref_slice %arg11[%dma_wait3A_163] : memref<6400000xf32, #tpu.memory_space<hbm>> -> memref<2000xf32, #tpu.memory_space<hbm>>
          %dma_wait3A_165 = arith.constant 0 : i32
          %dma_wait3A_166 = tpu.memref_slice %arg11[%dma_wait3A_165] : memref<6400000xf32, #tpu.memory_space<hbm>> -> memref<2000xf32, #tpu.memory_space<hbm>>
          tpu.wait_dma2 semaphore(%arg38 : memref<!tpu.dma_semaphore, #tpu.memory_space<semaphore_mem>>) src(%arg21 : memref<2000xf32, #tpu.memory_space<vmem>>) dst(%dma_wait3A_166 : memref<2000xf32, #tpu.memory_space<hbm>>)
        } else {
        }
        %scan3A_142 = arith.constant 0 : i32
        %scan3A_143 = arith.constant 0 : i32
        %scan3A_144 = arith.constant 125 : i32
        %scan3A_145 = arith.addi %scan3A_143, %scan3A_144 : i32
        %scan3A_146 = arith.constant 1 : i32
        %scan3A_147 = scf.for %scan3A_163 = %scan3A_143 to %scan3A_145 step %scan3A_146 iter_args(%scan3A_164 = %scan3A_142) -> (i32)  : i32 {
          %mul3A_165 = arith.constant 16 : i32
          %mul3A_166 = arith.muli %scan3A_163, %mul3A_165 : i32
          %get3A = arith.index_cast %mul3A_166 : i32 to index
          %get3A_167 = tpu.vector_load %arg14[%get3A] {strides = array<i32>} : memref<2000xf32, #tpu.memory_space<vmem>>, vector<16xf32>,
          %get3A_168 = arith.index_cast %mul3A_166 : i32 to index
          %get3A_169 = tpu.vector_load %arg20[%get3A_168] {strides = array<i32>} : memref<2000xf32, #tpu.memory_space<vmem>>, vector<16xf32>,
          %get3A_170 = arith.index_cast %mul3A_166 : i32 to index
          %get3A_171 = tpu.vector_load %arg18[%get3A_170] {strides = array<i32>} : memref<2000xf32, #tpu.memory_space<vmem>>, vector<16xf32>,
          %bitcast3A = vector.bitcast %get3A_171 : vector<16xf32> to vector<16xi32>
          %get3A_172 = arith.index_cast %mul3A_166 : i32 to index
          %get3A_173 = tpu.vector_load %arg19[%get3A_172] {strides = array<i32>} : memref<2000xf32, #tpu.memory_space<vmem>>, vector<16xf32>,
          %bitcast3A_174 = vector.bitcast %get3A_173 : vector<16xf32> to vector<16xi32>
          %and3A_175 = arith.andi %bitcast3A, %broadcast_in_dim3A_3 : vector<16xi32>
          %bitcast3A_176 = vector.bitcast %and3A_175 : vector<16xi32> to vector<16xf32>
          %shift_left3A = arith.constant 16 : i32
          %shift_left3A_177 = vector.broadcast %shift_left3A : i32 to vector<16xi32>
          %shift_left3A_178 = arith.shli %bitcast3A, %shift_left3A_177 : vector<16xi32>
          %bitcast3A_179 = vector.bitcast %shift_left3A_178 : vector<16xi32> to vector<16xf32>
          %and3A_180 = arith.andi %bitcast3A_174, %broadcast_in_dim3A_3 : vector<16xi32>
          %bitcast3A_181 = vector.bitcast %and3A_180 : vector<16xi32> to vector<16xf32>
          %shift_left3A_182 = arith.constant 16 : i32
          %shift_left3A_183 = vector.broadcast %shift_left3A_182 : i32 to vector<16xi32>
          %shift_left3A_184 = arith.shli %bitcast3A_174, %shift_left3A_183 : vector<16xi32>
          %bitcast3A_185 = vector.bitcast %shift_left3A_184 : vector<16xi32> to vector<16xf32>
          %get3A_186 = arith.index_cast %mul3A_166 : i32 to index
          %get3A_187 = tpu.vector_load %arg15[%get3A_186] {strides = array<i32>} : memref<2000xf32, #tpu.memory_space<vmem>>, vector<16xf32>,
          %get3A_188 = arith.index_cast %mul3A_166 : i32 to index
          %get3A_189 = tpu.vector_load %arg16[%get3A_188] {strides = array<i32>} : memref<2000xf32, #tpu.memory_space<vmem>>, vector<16xf32>,
          %get3A_190 = arith.index_cast %mul3A_166 : i32 to index
          %get3A_191 = tpu.vector_load %arg17[%get3A_190] {strides = array<i32>} : memref<2000xf32, #tpu.memory_space<vmem>>, vector<16xf32>,
          %div3A = arith.constant 1.000000e+00 : f32
          %div3A_192 = vector.broadcast %div3A : f32 to vector<16xf32>
          %div3A_193 = arith.divf %div3A_192, %get3A_167 : vector<16xf32>
          %mul3A_194 = arith.mulf %get3A_187, %bitcast3A_181 : vector<16xf32>
          %mul3A_195 = arith.mulf %get3A_189, %bitcast3A_185 : vector<16xf32>
          %add3A_196 = arith.addf %mul3A_194, %mul3A_195 : vector<16xf32>
          %mul3A_197 = arith.mulf %get3A_191, %bitcast3A_179 : vector<16xf32>
          %add3A_198 = arith.addf %add3A_196, %mul3A_197 : vector<16xf32>
          %mul3A_199 = arith.mulf %div3A_193, %get3A_169 : vector<16xf32>
          %mul3A_200 = arith.mulf %add3A_198, %div3A_193 : vector<16xf32>
          %mul3A_201 = arith.mulf %mul3A_200, %div3A_193 : vector<16xf32>
          %sub3A = arith.subf %bitcast3A_176, %mul3A_201 : vector<16xf32>
          %mul3A_202 = arith.mulf %mul3A_199, %sub3A : vector<16xf32>
          %mul3A_203 = arith.constant 14.3996449 : f32
          %mul3A_204 = vector.broadcast %mul3A_203 : f32 to vector<16xf32>
          %mul3A_205 = arith.mulf %mul3A_204, %mul3A_202 : vector<16xf32>
          %le3A = arith.constant 0.899999976 : f32
          %le3A_206 = vector.broadcast %le3A : f32 to vector<16xf32>
          %le3A_207 = arith.cmpf ole, %get3A_167, %le3A_206 : vector<16xf32>
          %broadcast_in_dim3A_208 = arith.constant 0.000000e+00 : f32
          %broadcast_in_dim3A_209 = vector.broadcast %broadcast_in_dim3A_208 : f32 to vector<16xf32>
          %select_n3A_210 = arith.select %le3A_207, %mul3A_205, %broadcast_in_dim3A_209 : vector<16xi1>, vector<16xf32>
          %swap3A = arith.index_cast %mul3A_166 : i32 to index
          %swap3A_211 = tpu.vector_load %arg21[%swap3A] {strides = array<i32>} : memref<2000xf32, #tpu.memory_space<vmem>>, vector<16xf32>,
          tpu.vector_store %arg21[%swap3A], %select_n3A_210 {strides = array<i32>} : memref<2000xf32, #tpu.memory_space<vmem>>, vector<16xf32>,
          %scan3A_212 = arith.constant 0 : i32
          scf.yield %scan3A_212 : i32
        }
        %scan3A_148 = arith.constant 125 : i32
        %mul3A_149 = arith.constant 200000 : i32
        %mul3A_150 = arith.muli %add3A, %mul3A_149 : i32
        %mul3A_151 = arith.constant 2000 : i32
        %mul3A_152 = arith.muli %scan3A_70, %mul3A_151 : i32
        %add3A_153 = arith.addi %mul3A_150, %mul3A_152 : i32
        %dma_start3A_154 = tpu.memref_slice %arg11[%add3A_153] : memref<6400000xf32, #tpu.memory_space<hbm>> -> memref<2000xf32, #tpu.memory_space<hbm>>
        %dma_start3A_155 = tpu.memref_slice %arg11[%add3A_153] : memref<6400000xf32, #tpu.memory_space<hbm>> -> memref<2000xf32, #tpu.memory_space<hbm>>
        tpu.enqueue_dma source(%arg21 : memref<2000xf32, #tpu.memory_space<vmem>>) target(%dma_start3A_155 : memref<2000xf32, #tpu.memory_space<hbm>>) target_semaphore(%arg38 : memref<!tpu.dma_semaphore, #tpu.memory_space<semaphore_mem>>)
        %add3A_156 = arith.constant 2 : i32
        %add3A_157 = arith.addi %scan3A_70, %add3A_156 : i32
        %lt3A_158 = arith.constant 100 : i32
        %lt3A_159 = arith.cmpi slt, %add3A_157, %lt3A_158 : i32
        %convert_element_type3A_160 = arith.extui %lt3A_159 : i1 to i32
        %cond3A_161 = arith.constant 0 : i32
        %cond3A_162 = arith.cmpi ne, %convert_element_type3A_160, %cond3A_161 : i32
        scf.if %cond3A_162 {
          %add3A_163 = arith.constant 2 : i32
          %add3A_164 = arith.addi %scan3A_70, %add3A_163 : i32
          %mul3A_165 = arith.constant 200000 : i32
          %mul3A_166 = arith.muli %add3A, %mul3A_165 : i32
          %mul3A_167 = arith.constant 2000 : i32
          %mul3A_168 = arith.muli %add3A_164, %mul3A_167 : i32
          %add3A_169 = arith.addi %mul3A_166, %mul3A_168 : i32
          %dma_start3A_170 = tpu.memref_slice %arg6[%add3A_169] : memref<6400000xi32, #tpu.memory_space<hbm>> -> memref<2000xi32, #tpu.memory_space<hbm>>
          %dma_start3A_171 = tpu.memref_slice %arg6[%add3A_169] : memref<6400000xi32, #tpu.memory_space<hbm>> -> memref<2000xi32, #tpu.memory_space<hbm>>
          tpu.enqueue_dma source(%dma_start3A_171 : memref<2000xi32, #tpu.memory_space<hbm>>) target(%arg12 : memref<2000xi32, #tpu.memory_space<vmem>>) target_semaphore(%arg35 : memref<!tpu.dma_semaphore, #tpu.memory_space<semaphore_mem>>)
          %dma_start3A_172 = tpu.memref_slice %arg7[%add3A_169] : memref<6400000xi32, #tpu.memory_space<hbm>> -> memref<2000xi32, #tpu.memory_space<hbm>>
          %dma_start3A_173 = tpu.memref_slice %arg7[%add3A_169] : memref<6400000xi32, #tpu.memory_space<hbm>> -> memref<2000xi32, #tpu.memory_space<hbm>>
          tpu.enqueue_dma source(%dma_start3A_173 : memref<2000xi32, #tpu.memory_space<hbm>>) target(%arg13 : memref<2000xi32, #tpu.memory_space<vmem>>) target_semaphore(%arg35 : memref<!tpu.dma_semaphore, #tpu.memory_space<semaphore_mem>>)
          %add3A_174 = arith.constant 2 : i32
          %add3A_175 = arith.addi %scan3A_70, %add3A_174 : i32
          %mul3A_176 = arith.constant 200000 : i32
          %mul3A_177 = arith.muli %add3A, %mul3A_176 : i32
          %mul3A_178 = arith.constant 2000 : i32
          %mul3A_179 = arith.muli %add3A_175, %mul3A_178 : i32
          %add3A_180 = arith.addi %mul3A_177, %mul3A_179 : i32
          %dma_start3A_181 = tpu.memref_slice %arg5[%add3A_180] : memref<6400000xf32, #tpu.memory_space<hbm>> -> memref<2000xf32, #tpu.memory_space<hbm>>
          %dma_start3A_182 = tpu.memref_slice %arg5[%add3A_180] : memref<6400000xf32, #tpu.memory_space<hbm>> -> memref<2000xf32, #tpu.memory_space<hbm>>
          tpu.enqueue_dma source(%dma_start3A_182 : memref<2000xf32, #tpu.memory_space<hbm>>) target(%arg14 : memref<2000xf32, #tpu.memory_space<vmem>>) target_semaphore(%arg36 : memref<!tpu.dma_semaphore, #tpu.memory_space<semaphore_mem>>)
          %dma_start3A_183 = tpu.memref_slice %arg8[%add3A_180] : memref<6400000xf32, #tpu.memory_space<hbm>> -> memref<2000xf32, #tpu.memory_space<hbm>>
          %dma_start3A_184 = tpu.memref_slice %arg8[%add3A_180] : memref<6400000xf32, #tpu.memory_space<hbm>> -> memref<2000xf32, #tpu.memory_space<hbm>>
          tpu.enqueue_dma source(%dma_start3A_184 : memref<2000xf32, #tpu.memory_space<hbm>>) target(%arg15 : memref<2000xf32, #tpu.memory_space<vmem>>) target_semaphore(%arg36 : memref<!tpu.dma_semaphore, #tpu.memory_space<semaphore_mem>>)
          %dma_start3A_185 = tpu.memref_slice %arg9[%add3A_180] : memref<6400000xf32, #tpu.memory_space<hbm>> -> memref<2000xf32, #tpu.memory_space<hbm>>
          %dma_start3A_186 = tpu.memref_slice %arg9[%add3A_180] : memref<6400000xf32, #tpu.memory_space<hbm>> -> memref<2000xf32, #tpu.memory_space<hbm>>
          tpu.enqueue_dma source(%dma_start3A_186 : memref<2000xf32, #tpu.memory_space<hbm>>) target(%arg16 : memref<2000xf32, #tpu.memory_space<vmem>>) target_semaphore(%arg36 : memref<!tpu.dma_semaphore, #tpu.memory_space<semaphore_mem>>)
          %dma_start3A_187 = tpu.memref_slice %arg10[%add3A_180] : memref<6400000xf32, #tpu.memory_space<hbm>> -> memref<2000xf32, #tpu.memory_space<hbm>>
          %dma_start3A_188 = tpu.memref_slice %arg10[%add3A_180] : memref<6400000xf32, #tpu.memory_space<hbm>> -> memref<2000xf32, #tpu.memory_space<hbm>>
          tpu.enqueue_dma source(%dma_start3A_188 : memref<2000xf32, #tpu.memory_space<hbm>>) target(%arg17 : memref<2000xf32, #tpu.memory_space<vmem>>) target_semaphore(%arg36 : memref<!tpu.dma_semaphore, #tpu.memory_space<semaphore_mem>>)
        } else {
        }
      } else {
      }
      %jit3A_87 = arith.constant 2 : i32
      %eq3A_88 = arith.constant 0 : i32
      %eq3A_89 = arith.cmpi eq, %jit3A_87, %eq3A_88 : i32
      %jit3A_90 = arith.constant 1 : i32
      %select_n3A_91 = arith.select %eq3A_89, %jit3A_90, %jit3A_87 : i32
      %rem3A_92 = arith.remsi %scan3A_70, %select_n3A_91 : i32
      %ne3A_93 = arith.constant 0 : i32
      %ne3A_94 = arith.cmpi ne, %rem3A_92, %ne3A_93 : i32
      %lt3A_95 = arith.constant 0 : i32
      %lt3A_96 = arith.cmpi slt, %rem3A_92, %lt3A_95 : i32
      %lt3A_97 = arith.constant 0 : i32
      %lt3A_98 = arith.cmpi slt, %select_n3A_91, %lt3A_97 : i32
      %ne3A_99 = arith.xori %lt3A_96, %lt3A_98 : i1
      %and3A_100 = arith.andi %ne3A_99, %ne3A_94 : i1
      %add3A_101 = arith.addi %rem3A_92, %select_n3A_91 : i32
      %select_n3A_102 = arith.select %and3A_100, %add3A_101, %rem3A_92 : i32
      %eq3A_103 = arith.constant 1 : i32
      %eq3A_104 = arith.cmpi eq, %select_n3A_102, %eq3A_103 : i32
      %convert_element_type3A_105 = arith.extui %eq3A_104 : i1 to i32
      %cond3A_106 = arith.constant 0 : i32
      %cond3A_107 = arith.cmpi ne, %convert_element_type3A_105, %cond3A_106 : i32
      scf.if %cond3A_107 {
        %add3A_109 = arith.constant 1 : i32
        %add3A_110 = arith.addi %scan3A_70, %add3A_109 : i32
        %lt3A_111 = arith.constant 100 : i32
        %lt3A_112 = arith.cmpi slt, %add3A_110, %lt3A_111 : i32
        %convert_element_type3A_113 = arith.extui %lt3A_112 : i1 to i32
        %cond3A_114 = arith.constant 0 : i32
        %cond3A_115 = arith.cmpi ne, %convert_element_type3A_113, %cond3A_114 : i32
        scf.if %cond3A_115 {
          %dma_wait3A_163 = arith.constant 0 : i32
          %dma_wait3A_164 = tpu.memref_slice %arg6[%dma_wait3A_163] : memref<6400000xi32, #tpu.memory_space<hbm>> -> memref<2000xi32, #tpu.memory_space<hbm>>
          %dma_wait3A_165 = arith.constant 0 : i32
          %dma_wait3A_166 = tpu.memref_slice %arg6[%dma_wait3A_165] : memref<6400000xi32, #tpu.memory_space<hbm>> -> memref<2000xi32, #tpu.memory_space<hbm>>
          tpu.wait_dma2 semaphore(%arg35 : memref<!tpu.dma_semaphore, #tpu.memory_space<semaphore_mem>>) src(%dma_wait3A_166 : memref<2000xi32, #tpu.memory_space<hbm>>) dst(%arg12 : memref<2000xi32, #tpu.memory_space<vmem>>)
          %dma_wait3A_167 = arith.constant 0 : i32
          %dma_wait3A_168 = tpu.memref_slice %arg7[%dma_wait3A_167] : memref<6400000xi32, #tpu.memory_space<hbm>> -> memref<2000xi32, #tpu.memory_space<hbm>>
          %dma_wait3A_169 = arith.constant 0 : i32
          %dma_wait3A_170 = tpu.memref_slice %arg7[%dma_wait3A_169] : memref<6400000xi32, #tpu.memory_space<hbm>> -> memref<2000xi32, #tpu.memory_space<hbm>>
          tpu.wait_dma2 semaphore(%arg35 : memref<!tpu.dma_semaphore, #tpu.memory_space<semaphore_mem>>) src(%dma_wait3A_170 : memref<2000xi32, #tpu.memory_space<hbm>>) dst(%arg13 : memref<2000xi32, #tpu.memory_space<vmem>>)
          %dma_start3A_171 = arith.constant 0 : i32
          %dma_start3A_172 = tpu.memref_slice %arg32[%dma_start3A_171] : memref<100000xf32, #tpu.memory_space<vmem_shared>> -> memref<100000xf32, #tpu.memory_space<vmem_shared>>
          tpu.enqueue_indirect_dma source(%dma_start3A_172 : memref<100000xf32, #tpu.memory_space<vmem_shared>>) target(%arg18 : memref<2000xf32, #tpu.memory_space<vmem>>) offsets(%arg12 : memref<2000xi32, #tpu.memory_space<vmem>>) semaphore(%arg37 : memref<!tpu.dma_semaphore, #tpu.memory_space<semaphore_mem>>)
          %dma_start3A_173 = arith.constant 0 : i32
          %dma_start3A_174 = tpu.memref_slice %arg33[%dma_start3A_173] : memref<100000xf32, #tpu.memory_space<vmem_shared>> -> memref<100000xf32, #tpu.memory_space<vmem_shared>>
          tpu.enqueue_indirect_dma source(%dma_start3A_174 : memref<100000xf32, #tpu.memory_space<vmem_shared>>) target(%arg19 : memref<2000xf32, #tpu.memory_space<vmem>>) offsets(%arg12 : memref<2000xi32, #tpu.memory_space<vmem>>) semaphore(%arg37 : memref<!tpu.dma_semaphore, #tpu.memory_space<semaphore_mem>>)
          %dma_start3A_175 = arith.constant 0 : i32
          %dma_start3A_176 = tpu.memref_slice %arg34[%dma_start3A_175] : memref<100000xf32, #tpu.memory_space<vmem_shared>> -> memref<100000xf32, #tpu.memory_space<vmem_shared>>
          tpu.enqueue_indirect_dma source(%dma_start3A_176 : memref<100000xf32, #tpu.memory_space<vmem_shared>>) target(%arg20 : memref<2000xf32, #tpu.memory_space<vmem>>) offsets(%arg13 : memref<2000xi32, #tpu.memory_space<vmem>>) semaphore(%arg37 : memref<!tpu.dma_semaphore, #tpu.memory_space<semaphore_mem>>)
        } else {
        }
        %dma_wait3A_116 = arith.constant 0 : i32
        %dma_wait3A_117 = tpu.memref_slice %arg32[%dma_wait3A_116] : memref<100000xf32, #tpu.memory_space<vmem_shared>> -> memref<100000xf32, #tpu.memory_space<vmem_shared>>
        tpu.wait_indirect_dma semaphore(%arg37 : memref<!tpu.dma_semaphore, #tpu.memory_space<semaphore_mem>>) src(%dma_wait3A_117 : memref<100000xf32, #tpu.memory_space<vmem_shared>>) dst(%arg28 : memref<2000xf32, #tpu.memory_space<vmem>>)
        %dma_wait3A_118 = arith.constant 0 : i32
        %dma_wait3A_119 = tpu.memref_slice %arg33[%dma_wait3A_118] : memref<100000xf32, #tpu.memory_space<vmem_shared>> -> memref<100000xf32, #tpu.memory_space<vmem_shared>>
        tpu.wait_indirect_dma semaphore(%arg37 : memref<!tpu.dma_semaphore, #tpu.memory_space<semaphore_mem>>) src(%dma_wait3A_119 : memref<100000xf32, #tpu.memory_space<vmem_shared>>) dst(%arg29 : memref<2000xf32, #tpu.memory_space<vmem>>)
        %dma_wait3A_120 = arith.constant 0 : i32
        %dma_wait3A_121 = tpu.memref_slice %arg34[%dma_wait3A_120] : memref<100000xf32, #tpu.memory_space<vmem_shared>> -> memref<100000xf32, #tpu.memory_space<vmem_shared>>
        tpu.wait_indirect_dma semaphore(%arg37 : memref<!tpu.dma_semaphore, #tpu.memory_space<semaphore_mem>>) src(%dma_wait3A_121 : memref<100000xf32, #tpu.memory_space<vmem_shared>>) dst(%arg30 : memref<2000xf32, #tpu.memory_space<vmem>>)
        %dma_wait3A_122 = arith.constant 0 : i32
        %dma_wait3A_123 = tpu.memref_slice %arg5[%dma_wait3A_122] : memref<6400000xf32, #tpu.memory_space<hbm>> -> memref<2000xf32, #tpu.memory_space<hbm>>
        %dma_wait3A_124 = arith.constant 0 : i32
        %dma_wait3A_125 = tpu.memref_slice %arg5[%dma_wait3A_124] : memref<6400000xf32, #tpu.memory_space<hbm>> -> memref<2000xf32, #tpu.memory_space<hbm>>
        tpu.wait_dma2 semaphore(%arg36 : memref<!tpu.dma_semaphore, #tpu.memory_space<semaphore_mem>>) src(%dma_wait3A_125 : memref<2000xf32, #tpu.memory_space<hbm>>) dst(%arg24 : memref<2000xf32, #tpu.memory_space<vmem>>)
        %dma_wait3A_126 = arith.constant 0 : i32
        %dma_wait3A_127 = tpu.memref_slice %arg8[%dma_wait3A_126] : memref<6400000xf32, #tpu.memory_space<hbm>> -> memref<2000xf32, #tpu.memory_space<hbm>>
        %dma_wait3A_128 = arith.constant 0 : i32
        %dma_wait3A_129 = tpu.memref_slice %arg8[%dma_wait3A_128] : memref<6400000xf32, #tpu.memory_space<hbm>> -> memref<2000xf32, #tpu.memory_space<hbm>>
        tpu.wait_dma2 semaphore(%arg36 : memref<!tpu.dma_semaphore, #tpu.memory_space<semaphore_mem>>) src(%dma_wait3A_129 : memref<2000xf32, #tpu.memory_space<hbm>>) dst(%arg25 : memref<2000xf32, #tpu.memory_space<vmem>>)
        %dma_wait3A_130 = arith.constant 0 : i32
        %dma_wait3A_131 = tpu.memref_slice %arg9[%dma_wait3A_130] : memref<6400000xf32, #tpu.memory_space<hbm>> -> memref<2000xf32, #tpu.memory_space<hbm>>
        %dma_wait3A_132 = arith.constant 0 : i32
        %dma_wait3A_133 = tpu.memref_slice %arg9[%dma_wait3A_132] : memref<6400000xf32, #tpu.memory_space<hbm>> -> memref<2000xf32, #tpu.memory_space<hbm>>
        tpu.wait_dma2 semaphore(%arg36 : memref<!tpu.dma_semaphore, #tpu.memory_space<semaphore_mem>>) src(%dma_wait3A_133 : memref<2000xf32, #tpu.memory_space<hbm>>) dst(%arg26 : memref<2000xf32, #tpu.memory_space<vmem>>)
        %dma_wait3A_134 = arith.constant 0 : i32
        %dma_wait3A_135 = tpu.memref_slice %arg10[%dma_wait3A_134] : memref<6400000xf32, #tpu.memory_space<hbm>> -> memref<2000xf32, #tpu.memory_space<hbm>>
        %dma_wait3A_136 = arith.constant 0 : i32
        %dma_wait3A_137 = tpu.memref_slice %arg10[%dma_wait3A_136] : memref<6400000xf32, #tpu.memory_space<hbm>> -> memref<2000xf32, #tpu.memory_space<hbm>>
        tpu.wait_dma2 semaphore(%arg36 : memref<!tpu.dma_semaphore, #tpu.memory_space<semaphore_mem>>) src(%dma_wait3A_137 : memref<2000xf32, #tpu.memory_space<hbm>>) dst(%arg27 : memref<2000xf32, #tpu.memory_space<vmem>>)
        %ge3A = arith.constant 2 : i32
        %ge3A_138 = arith.cmpi sge, %scan3A_70, %ge3A : i32
        %convert_element_type3A_139 = arith.extui %ge3A_138 : i1 to i32
        %cond3A_140 = arith.constant 0 : i32
        %cond3A_141 = arith.cmpi ne, %convert_element_type3A_139, %cond3A_140 : i32
        scf.if %cond3A_141 {
          %dma_wait3A_163 = arith.constant 0 : i32
          %dma_wait3A_164 = tpu.memref_slice %arg11[%dma_wait3A_163] : memref<6400000xf32, #tpu.memory_space<hbm>> -> memref<2000xf32, #tpu.memory_space<hbm>>
          %dma_wait3A_165 = arith.constant 0 : i32
          %dma_wait3A_166 = tpu.memref_slice %arg11[%dma_wait3A_165] : memref<6400000xf32, #tpu.memory_space<hbm>> -> memref<2000xf32, #tpu.memory_space<hbm>>
          tpu.wait_dma2 semaphore(%arg38 : memref<!tpu.dma_semaphore, #tpu.memory_space<semaphore_mem>>) src(%arg31 : memref<2000xf32, #tpu.memory_space<vmem>>) dst(%dma_wait3A_166 : memref<2000xf32, #tpu.memory_space<hbm>>)
        } else {
        }
        %scan3A_142 = arith.constant 0 : i32
        %scan3A_143 = arith.constant 0 : i32
        %scan3A_144 = arith.constant 125 : i32
        %scan3A_145 = arith.addi %scan3A_143, %scan3A_144 : i32
        %scan3A_146 = arith.constant 1 : i32
        %scan3A_147 = scf.for %scan3A_163 = %scan3A_143 to %scan3A_145 step %scan3A_146 iter_args(%scan3A_164 = %scan3A_142) -> (i32)  : i32 {
          %mul3A_165 = arith.constant 16 : i32
          %mul3A_166 = arith.muli %scan3A_163, %mul3A_165 : i32
          %get3A = arith.index_cast %mul3A_166 : i32 to index
          %get3A_167 = tpu.vector_load %arg24[%get3A] {strides = array<i32>} : memref<2000xf32, #tpu.memory_space<vmem>>, vector<16xf32>,
          %get3A_168 = arith.index_cast %mul3A_166 : i32 to index
          %get3A_169 = tpu.vector_load %arg30[%get3A_168] {strides = array<i32>} : memref<2000xf32, #tpu.memory_space<vmem>>, vector<16xf32>,
          %get3A_170 = arith.index_cast %mul3A_166 : i32 to index
          %get3A_171 = tpu.vector_load %arg28[%get3A_170] {strides = array<i32>} : memref<2000xf32, #tpu.memory_space<vmem>>, vector<16xf32>,
          %bitcast3A = vector.bitcast %get3A_171 : vector<16xf32> to vector<16xi32>
          %get3A_172 = arith.index_cast %mul3A_166 : i32 to index
          %get3A_173 = tpu.vector_load %arg29[%get3A_172] {strides = array<i32>} : memref<2000xf32, #tpu.memory_space<vmem>>, vector<16xf32>,
          %bitcast3A_174 = vector.bitcast %get3A_173 : vector<16xf32> to vector<16xi32>
          %and3A_175 = arith.andi %bitcast3A, %broadcast_in_dim3A_3 : vector<16xi32>
          %bitcast3A_176 = vector.bitcast %and3A_175 : vector<16xi32> to vector<16xf32>
          %shift_left3A = arith.constant 16 : i32
          %shift_left3A_177 = vector.broadcast %shift_left3A : i32 to vector<16xi32>
          %shift_left3A_178 = arith.shli %bitcast3A, %shift_left3A_177 : vector<16xi32>
          %bitcast3A_179 = vector.bitcast %shift_left3A_178 : vector<16xi32> to vector<16xf32>
          %and3A_180 = arith.andi %bitcast3A_174, %broadcast_in_dim3A_3 : vector<16xi32>
          %bitcast3A_181 = vector.bitcast %and3A_180 : vector<16xi32> to vector<16xf32>
          %shift_left3A_182 = arith.constant 16 : i32
          %shift_left3A_183 = vector.broadcast %shift_left3A_182 : i32 to vector<16xi32>
          %shift_left3A_184 = arith.shli %bitcast3A_174, %shift_left3A_183 : vector<16xi32>
          %bitcast3A_185 = vector.bitcast %shift_left3A_184 : vector<16xi32> to vector<16xf32>
          %get3A_186 = arith.index_cast %mul3A_166 : i32 to index
          %get3A_187 = tpu.vector_load %arg25[%get3A_186] {strides = array<i32>} : memref<2000xf32, #tpu.memory_space<vmem>>, vector<16xf32>,
          %get3A_188 = arith.index_cast %mul3A_166 : i32 to index
          %get3A_189 = tpu.vector_load %arg26[%get3A_188] {strides = array<i32>} : memref<2000xf32, #tpu.memory_space<vmem>>, vector<16xf32>,
          %get3A_190 = arith.index_cast %mul3A_166 : i32 to index
          %get3A_191 = tpu.vector_load %arg27[%get3A_190] {strides = array<i32>} : memref<2000xf32, #tpu.memory_space<vmem>>, vector<16xf32>,
          %div3A = arith.constant 1.000000e+00 : f32
          %div3A_192 = vector.broadcast %div3A : f32 to vector<16xf32>
          %div3A_193 = arith.divf %div3A_192, %get3A_167 : vector<16xf32>
          %mul3A_194 = arith.mulf %get3A_187, %bitcast3A_181 : vector<16xf32>
          %mul3A_195 = arith.mulf %get3A_189, %bitcast3A_185 : vector<16xf32>
          %add3A_196 = arith.addf %mul3A_194, %mul3A_195 : vector<16xf32>
          %mul3A_197 = arith.mulf %get3A_191, %bitcast3A_179 : vector<16xf32>
          %add3A_198 = arith.addf %add3A_196, %mul3A_197 : vector<16xf32>
          %mul3A_199 = arith.mulf %div3A_193, %get3A_169 : vector<16xf32>
          %mul3A_200 = arith.mulf %add3A_198, %div3A_193 : vector<16xf32>
          %mul3A_201 = arith.mulf %mul3A_200, %div3A_193 : vector<16xf32>
          %sub3A = arith.subf %bitcast3A_176, %mul3A_201 : vector<16xf32>
          %mul3A_202 = arith.mulf %mul3A_199, %sub3A : vector<16xf32>
          %mul3A_203 = arith.constant 14.3996449 : f32
          %mul3A_204 = vector.broadcast %mul3A_203 : f32 to vector<16xf32>
          %mul3A_205 = arith.mulf %mul3A_204, %mul3A_202 : vector<16xf32>
          %le3A = arith.constant 0.899999976 : f32
          %le3A_206 = vector.broadcast %le3A : f32 to vector<16xf32>
          %le3A_207 = arith.cmpf ole, %get3A_167, %le3A_206 : vector<16xf32>
          %broadcast_in_dim3A_208 = arith.constant 0.000000e+00 : f32
          %broadcast_in_dim3A_209 = vector.broadcast %broadcast_in_dim3A_208 : f32 to vector<16xf32>
          %select_n3A_210 = arith.select %le3A_207, %mul3A_205, %broadcast_in_dim3A_209 : vector<16xi1>, vector<16xf32>
          %swap3A = arith.index_cast %mul3A_166 : i32 to index
          %swap3A_211 = tpu.vector_load %arg31[%swap3A] {strides = array<i32>} : memref<2000xf32, #tpu.memory_space<vmem>>, vector<16xf32>,
          tpu.vector_store %arg31[%swap3A], %select_n3A_210 {strides = array<i32>} : memref<2000xf32, #tpu.memory_space<vmem>>, vector<16xf32>,
          %scan3A_212 = arith.constant 0 : i32
          scf.yield %scan3A_212 : i32
        }
        %scan3A_148 = arith.constant 125 : i32
        %mul3A_149 = arith.constant 200000 : i32
        %mul3A_150 = arith.muli %add3A, %mul3A_149 : i32
        %mul3A_151 = arith.constant 2000 : i32
        %mul3A_152 = arith.muli %scan3A_70, %mul3A_151 : i32
        %add3A_153 = arith.addi %mul3A_150, %mul3A_152 : i32
        %dma_start3A_154 = tpu.memref_slice %arg11[%add3A_153] : memref<6400000xf32, #tpu.memory_space<hbm>> -> memref<2000xf32, #tpu.memory_space<hbm>>
        %dma_start3A_155 = tpu.memref_slice %arg11[%add3A_153] : memref<6400000xf32, #tpu.memory_space<hbm>> -> memref<2000xf32, #tpu.memory_space<hbm>>
        tpu.enqueue_dma source(%arg31 : memref<2000xf32, #tpu.memory_space<vmem>>) target(%dma_start3A_155 : memref<2000xf32, #tpu.memory_space<hbm>>) target_semaphore(%arg38 : memref<!tpu.dma_semaphore, #tpu.memory_space<semaphore_mem>>)
        %add3A_156 = arith.constant 2 : i32
        %add3A_157 = arith.addi %scan3A_70, %add3A_156 : i32
        %lt3A_158 = arith.constant 100 : i32
        %lt3A_159 = arith.cmpi slt, %add3A_157, %lt3A_158 : i32
        %convert_element_type3A_160 = arith.extui %lt3A_159 : i1 to i32
        %cond3A_161 = arith.constant 0 : i32
        %cond3A_162 = arith.cmpi ne, %convert_element_type3A_160, %cond3A_161 : i32
        scf.if %cond3A_162 {
          %add3A_163 = arith.constant 2 : i32
          %add3A_164 = arith.addi %scan3A_70, %add3A_163 : i32
          %mul3A_165 = arith.constant 200000 : i32
          %mul3A_166 = arith.muli %add3A, %mul3A_165 : i32
          %mul3A_167 = arith.constant 2000 : i32
          %mul3A_168 = arith.muli %add3A_164, %mul3A_167 : i32
          %add3A_169 = arith.addi %mul3A_166, %mul3A_168 : i32
          %dma_start3A_170 = tpu.memref_slice %arg6[%add3A_169] : memref<6400000xi32, #tpu.memory_space<hbm>> -> memref<2000xi32, #tpu.memory_space<hbm>>
          %dma_start3A_171 = tpu.memref_slice %arg6[%add3A_169] : memref<6400000xi32, #tpu.memory_space<hbm>> -> memref<2000xi32, #tpu.memory_space<hbm>>
          tpu.enqueue_dma source(%dma_start3A_171 : memref<2000xi32, #tpu.memory_space<hbm>>) target(%arg22 : memref<2000xi32, #tpu.memory_space<vmem>>) target_semaphore(%arg35 : memref<!tpu.dma_semaphore, #tpu.memory_space<semaphore_mem>>)
          %dma_start3A_172 = tpu.memref_slice %arg7[%add3A_169] : memref<6400000xi32, #tpu.memory_space<hbm>> -> memref<2000xi32, #tpu.memory_space<hbm>>
          %dma_start3A_173 = tpu.memref_slice %arg7[%add3A_169] : memref<6400000xi32, #tpu.memory_space<hbm>> -> memref<2000xi32, #tpu.memory_space<hbm>>
          tpu.enqueue_dma source(%dma_start3A_173 : memref<2000xi32, #tpu.memory_space<hbm>>) target(%arg23 : memref<2000xi32, #tpu.memory_space<vmem>>) target_semaphore(%arg35 : memref<!tpu.dma_semaphore, #tpu.memory_space<semaphore_mem>>)
          %add3A_174 = arith.constant 2 : i32
          %add3A_175 = arith.addi %scan3A_70, %add3A_174 : i32
          %mul3A_176 = arith.constant 200000 : i32
          %mul3A_177 = arith.muli %add3A, %mul3A_176 : i32
          %mul3A_178 = arith.constant 2000 : i32
          %mul3A_179 = arith.muli %add3A_175, %mul3A_178 : i32
          %add3A_180 = arith.addi %mul3A_177, %mul3A_179 : i32
          %dma_start3A_181 = tpu.memref_slice %arg5[%add3A_180] : memref<6400000xf32, #tpu.memory_space<hbm>> -> memref<2000xf32, #tpu.memory_space<hbm>>
          %dma_start3A_182 = tpu.memref_slice %arg5[%add3A_180] : memref<6400000xf32, #tpu.memory_space<hbm>> -> memref<2000xf32, #tpu.memory_space<hbm>>
          tpu.enqueue_dma source(%dma_start3A_182 : memref<2000xf32, #tpu.memory_space<hbm>>) target(%arg24 : memref<2000xf32, #tpu.memory_space<vmem>>) target_semaphore(%arg36 : memref<!tpu.dma_semaphore, #tpu.memory_space<semaphore_mem>>)
          %dma_start3A_183 = tpu.memref_slice %arg8[%add3A_180] : memref<6400000xf32, #tpu.memory_space<hbm>> -> memref<2000xf32, #tpu.memory_space<hbm>>
          %dma_start3A_184 = tpu.memref_slice %arg8[%add3A_180] : memref<6400000xf32, #tpu.memory_space<hbm>> -> memref<2000xf32, #tpu.memory_space<hbm>>
          tpu.enqueue_dma source(%dma_start3A_184 : memref<2000xf32, #tpu.memory_space<hbm>>) target(%arg25 : memref<2000xf32, #tpu.memory_space<vmem>>) target_semaphore(%arg36 : memref<!tpu.dma_semaphore, #tpu.memory_space<semaphore_mem>>)
          %dma_start3A_185 = tpu.memref_slice %arg9[%add3A_180] : memref<6400000xf32, #tpu.memory_space<hbm>> -> memref<2000xf32, #tpu.memory_space<hbm>>
          %dma_start3A_186 = tpu.memref_slice %arg9[%add3A_180] : memref<6400000xf32, #tpu.memory_space<hbm>> -> memref<2000xf32, #tpu.memory_space<hbm>>
          tpu.enqueue_dma source(%dma_start3A_186 : memref<2000xf32, #tpu.memory_space<hbm>>) target(%arg26 : memref<2000xf32, #tpu.memory_space<vmem>>) target_semaphore(%arg36 : memref<!tpu.dma_semaphore, #tpu.memory_space<semaphore_mem>>)
          %dma_start3A_187 = tpu.memref_slice %arg10[%add3A_180] : memref<6400000xf32, #tpu.memory_space<hbm>> -> memref<2000xf32, #tpu.memory_space<hbm>>
          %dma_start3A_188 = tpu.memref_slice %arg10[%add3A_180] : memref<6400000xf32, #tpu.memory_space<hbm>> -> memref<2000xf32, #tpu.memory_space<hbm>>
          tpu.enqueue_dma source(%dma_start3A_188 : memref<2000xf32, #tpu.memory_space<hbm>>) target(%arg27 : memref<2000xf32, #tpu.memory_space<vmem>>) target_semaphore(%arg36 : memref<!tpu.dma_semaphore, #tpu.memory_space<semaphore_mem>>)
        } else {
        }
      } else {
      }
      %scan3A_108 = arith.constant 0 : i32
      scf.yield %scan3A_108 : i32
    }
    %scan3A_61 = arith.constant 100 : i32
    %dma_wait3A_62 = arith.constant 0 : i32
    %dma_wait3A_63 = tpu.memref_slice %arg11[%dma_wait3A_62] : memref<6400000xf32, #tpu.memory_space<hbm>> -> memref<2000xf32, #tpu.memory_space<hbm>>
    %dma_wait3A_64 = arith.constant 0 : i32
    %dma_wait3A_65 = tpu.memref_slice %arg11[%dma_wait3A_64] : memref<6400000xf32, #tpu.memory_space<hbm>> -> memref<2000xf32, #tpu.memory_space<hbm>>
    tpu.wait_dma2 semaphore(%arg38 : memref<!tpu.dma_semaphore, #tpu.memory_space<semaphore_mem>>) src(%arg21 : memref<2000xf32, #tpu.memory_space<vmem>>) dst(%dma_wait3A_65 : memref<2000xf32, #tpu.memory_space<hbm>>)
    %dma_wait3A_66 = arith.constant 0 : i32
    %dma_wait3A_67 = tpu.memref_slice %arg11[%dma_wait3A_66] : memref<6400000xf32, #tpu.memory_space<hbm>> -> memref<2000xf32, #tpu.memory_space<hbm>>
    %dma_wait3A_68 = arith.constant 0 : i32
    %dma_wait3A_69 = tpu.memref_slice %arg11[%dma_wait3A_68] : memref<6400000xf32, #tpu.memory_space<hbm>> -> memref<2000xf32, #tpu.memory_space<hbm>>
    tpu.wait_dma2 semaphore(%arg38 : memref<!tpu.dma_semaphore, #tpu.memory_space<semaphore_mem>>) src(%arg31 : memref<2000xf32, #tpu.memory_space<vmem>>) dst(%dma_wait3A_69 : memref<2000xf32, #tpu.memory_space<hbm>>)
    return
  }
}

</mosaic_0001>

<sc_bundles>
// kernel: kernel.3.cloned.1.call-start
scs
__scs_entry_jumppad:
0x0: {  	(pc) =	sbr.rel $0x88, $3  }
0x1: {  	(tag) =	ssettag $0x0;
	lr =	simm.s32 $0x1  }
0x2: {  	[smem:$0x3F9A] =	sst lr;
	_ =	strace $0xD0000000  }
0x3: {  	_ = 	snop  }
0x4: {  	_ = 	snop  }
0x5: {  	_ = 	snop  }
0x6: {  	_ = 	snop  }
0x7: {  	_ = 	snop  }
__scs_overlays_trampoline_lowered:
0x8: {  	[smem:$0x3FA9] =	sst s0  }
0x9: {  	[smem:$0x3FAA] =	sst s1  }
0xa: {  	[smem:$0x3FAB] =	sst s2  }
0xb: {  	[smem:$0x3FAC] =	sst s3  }
0xc: {  	[smem:$0x3FAD] =	sst s4  }
0xd: {  	[smem:$0x3FAE] =	sst s5  }
0xe: {  	[smem:$0x3FAF] =	sst s6  }
0xf: {  	[smem:$0x3FB0] =	sst s7  }
0x10: {  	[smem:$0x3FB1] =	sst s8  }
0x11: {  	[smem:$0x3FB2] =	sst s9;
	s0 =	simm.s32 @!p0 $0x0  }
0x12: {  	s1 =	sld [smem:$0x3F98];
	s0 =	simm.s32 @p0 $0x1  }
0x13: {  	[smem:$0x3FB3] =	sst s0;
	s0 =	simm.s32 @!p1 $0x0  }
0x14: {  	s2 =	sld [smem:$0x3F97];
	s0 =	simm.s32 @p1 $0x1  }
0x15: {  	[smem:$0x3FB4] =	sst s0;
	s0 =	simm.s32 @!p2 $0x0  }
0x16: {  	s3 =	sld [smem:$0x3FDB];
	s0 =	simm.s32 @p2 $0x1  }
0x17: {  	s4 =	simm.s32 $0x1BF5;
	[smem:$0x3FB6] =	sst s0  }
0x18: {  	s0 =	sld [smem:$0x3F99];
	_ =	swait.ge [sflag:s4], $0x0  }
0x19: {  	s7 =	sld [smem:$0x3F9A]  }
0x1a: {  	s8 =	sadd.s32 $0xFFFFE003, lr  }
0x1b: {  	s9 =	sadd.s32 $0xFFFFFEF7, lr;
	s5 =	simm.s32 $0xFFFFFFFF;
	p2 =	slt.u32 s8, $0xFFFFF086  }
0x1c: {  	p1 =	slt.u32 s9, $0xF7A;
	s5 =	simm.s32 @!p2 $0x0  }
0x1d: {  	s5 =	simm.s32 @p1 $0x1;
	p0 =	seq.s32 s7, s2  }
0x1e: {  	s7 =	smul.u32 @!p0 $0xF7A, s2;
	p2 =	seq.s32 @!p0 s5, $0x0  }
0x1f: {  	s9 =	smul.u32 $0xF7A, s1;
	s8 =	simm.s32 @!p0 $0x1BF5;
	p2 =	por !p2, p0  }
0x20: {  	[sflag:s8] =	ssyncset.s32 @!p0 $0xFFFFF086;
	s6 =	sadd.s32 @!p0 s3, s7;
	s7 =	simm.s32 @!p0 $0x108  }
0x21: {  	s3 =	sadd.s32 s3, s9;
	s6 =	sadd.s32 @!p0 $0x88, s6;
	s7 =	simm.s32 @p2 $0x1082  }
0x22: {  	[simem:s7], [sflag:s8] =	dma.local @!p0 [hbm:s6], $0xF7A  }
0x23: {  	s9 =	sor.u32 $0xD0000000, s2;
	s6 =	simm.s32 $0x108;
	_ =	swait.ge @!p0 [sflag:s8], $0x0  }
0x24: {  	s3 =	sadd.s32 $0x88, s3;
	s6 =	simm.s32 @!p1 $0x1082;
	[sflag:s4] =	ssyncset.s32 $0xFFFFF086  }
0x25: {  	[simem:s6], [sflag:s4] =	dma.local [hbm:s3], $0xF7A  }
0x26: {  	[smem:$0x3F9A] =	sst s1;
	(tag) =	ssettag s2;
	_ =	strace s9  }
0x27: {  	s1 =	sld [smem:$0x3FAA]  }
0x28: {  	s2 =	sld [smem:$0x3FAB]  }
0x29: {  	s4 =	sld [smem:$0x3FAD]  }
0x2a: {  	p0 =	seq.s32 s5, $0x0;
	s5 =	sld [smem:$0x3FAE]  }
0x2b: {  	s6 =	sld [smem:$0x3FAF]  }
0x2c: {  	s7 =	sld [smem:$0x3FB0]  }
0x2d: {  	s3 =	simm.s32 $0x108;
	s8 =	sld [smem:$0x3FB1]  }
0x2e: {  	s3 =	simm.s32 @!p0 $0x1082;
	s9 =	sld [smem:$0x3FB2]  }
0x2f: {  	lr =	sadd.s32 s0, s3;
	s0 =	sld [smem:$0x3FA9]  }
0x30: {  	s3 =	sld [smem:$0x3FAC]  }
0x31: {  	[smem:$0x3FB5] =	sst s10  }
0x32: {  	s10 =	sld [smem:$0x3FB3];
	_ =	sdelay $0x3  }
0x33: {  	p0 =	seq.s32 s10, $0x1;
	s10 =	sld [smem:$0x3FB5];
	_ =	sdelay $0x3  }
0x34: {  	[smem:$0x3FB5] =	sst s10  }
0x35: {  	s10 =	sld [smem:$0x3FB4];
	_ =	sdelay $0x3  }
0x36: {  	p1 =	seq.s32 s10, $0x1;
	s10 =	sld [smem:$0x3FB5];
	_ =	sdelay $0x3  }
0x37: {  	[smem:$0x3FB5] =	sst s10  }
0x38: {  	s10 =	sld [smem:$0x3FB6]  }
0x39: {  	_ = 	snop;
	(pc) =	sbr.ind lr, $3  }
0x3a: {  	_ = 	snop  }
0x3b: {  	_ = 	snop  }
0x3c: {  	p2 =	seq.s32 s10, $0x1;
	s10 =	sld [smem:$0x3FB5]  }
0x3d: {  	_ =	shalt  }
0x3e: {  	_ =	shalt  }
0x3f: {  	_ =	shalt  }
0x40: {  	_ =	shalt  }
0x41: {  	_ =	shalt  }
0x42: {  	_ =	shalt  }
0x43: {  	_ =	shalt  }
0x44: {  	_ =	shalt  }
0x45: {  	_ =	shalt  }
0x46: {  	_ =	shalt  }
0x47: {  	_ =	shalt  }
0x48: {  	_ =	shalt  }
0x49: {  	_ =	shalt  }
0x4a: {  	_ =	shalt  }
0x4b: {  	_ =	shalt  }
0x4c: {  	_ =	shalt  }
0x4d: {  	_ =	shalt  }
0x4e: {  	_ =	shalt  }
0x4f: {  	_ =	shalt  }
0x50: {  	_ =	shalt  }
0x51: {  	_ =	shalt  }
0x52: {  	_ =	shalt  }
0x53: {  	_ =	shalt  }
0x54: {  	_ =	shalt  }
0x55: {  	_ =	shalt  }
0x56: {  	_ =	shalt  }
0x57: {  	_ =	shalt  }
0x58: {  	_ =	shalt  }
0x59: {  	_ =	shalt  }
0x5a: {  	_ =	shalt  }
0x5b: {  	_ =	shalt  }
0x5c: {  	_ =	shalt  }
0x5d: {  	_ =	shalt  }
0x5e: {  	_ =	shalt  }
0x5f: {  	_ =	shalt  }
0x60: {  	_ =	shalt  }
0x61: {  	_ =	shalt  }
0x62: {  	_ =	shalt  }
0x63: {  	_ =	shalt  }
0x64: {  	_ =	shalt  }
0x65: {  	_ =	shalt  }
0x66: {  	_ =	shalt  }
0x67: {  	_ =	shalt  }
0x68: {  	_ =	shalt  }
0x69: {  	_ =	shalt  }
0x6a: {  	_ =	shalt  }
0x6b: {  	_ =	shalt  }
0x6c: {  	_ =	shalt  }
0x6d: {  	_ =	shalt  }
0x6e: {  	_ =	shalt  }
0x6f: {  	_ =	shalt  }
0x70: {  	_ =	shalt  }
0x71: {  	_ =	shalt  }
0x72: {  	_ =	shalt  }
0x73: {  	_ =	shalt  }
0x74: {  	_ =	shalt  }
0x75: {  	_ =	shalt  }
0x76: {  	_ =	shalt  }
0x77: {  	_ =	shalt  }
0x78: {  	_ =	shalt  }
0x79: {  	_ =	shalt  }
0x7a: {  	_ =	shalt  }
0x7b: {  	_ =	shalt  }
0x7c: {  	_ =	shalt  }
0x7d: {  	_ =	shalt  }
0x7e: {  	_ =	shalt  }
0x7f: {  	_ =	shalt  }
0x80: {  	_ =	shalt  }
0x81: {  	_ =	shalt  }
0x82: {  	_ =	shalt  }
0x83: {  	_ =	shalt  }
0x84: {  	_ =	shalt  }
0x85: {  	_ =	shalt  }
0x86: {  	_ =	shalt  }
0x87: {  	_ =	shalt  }
.Lfunc_end0:
.L_simem_size_0:
called_computation_lowered:
.L_overlay_start_0:
0x88: {  	s2 =	sld [smem:$0x3FD9]  }
0x89: {  	s3 =	sld [smem:$0x3FFE];
	_ =	sdelay $0x1  }
0x8a: {  	s1 =	srdreg.scid  }
0x8b: {  	s0 =	sand.u32 $0x1, s1  }
0x8c: {  	s17 =	sshll.u32 s0, $0xA;
	s2 =	sadd.s32 s3, s2  }
0x8d: {  	s2 =	sadd.s32 s2, s17  }
0x8e: {  	[smem:$0x3FC1] =	sst s2  }
0x8f: {  	_ = 	snop  }
0x90: {  	s2 =	sld [smem:$0x3FC9]  }
0x91: {  	s18 =	sld [smem:$0x3FC7]  }
0x92: {  	s4 =	sld [smem:$0x3FC6]  }
0x93: {  	s5 =	sld [smem:$0x3FC5]  }
0x94: {  	s6 =	sld [smem:$0x3FD0];
	(tm) =	ssettm $0x1  }
0x95: {  	s7 =	sld [smem:$0x3FFB];
	_ =	sdelay $0x3  }
0x96: {  	_ =	strace s7  }
0x97: {  	s7 =	sld [smem:$0x3FFC];
	_ =	sdelay $0x3  }
0x98: {  	_ =	strace s7  }
0x99: {  	s7 =	sld [smem:$0x3FFD];
	_ =	sdelay $0x3  }
0x9a: {  	_ =	strace s7  }
0x9b: {  	_ =	strace $0x8FFFFFFF  }
0x9c: {  	s19 =	sld [smem:$0x3FDB];
	_ =	sdelay $0x1  }
0x9d: {  	s8 =	simm.s32 $_scs_section_size  }
0x9e: {  	s9 =	simm.s32 $_size__tile_overlayer_lowered;
	s10 =	simm.s32 $_tile_overlayer_lowered  }
0x9f: {  	s22 =	simm.s32 $0x1BFF;
	s21 =	sshll.u32 s10, $0x1;
	s7 =	sadd.s32 s8, s19  }
0xa0: {  	s11 =	simm.s32 $0x0;
	s20 =	sshll.u32 s9, $0x1;
	s9 =	sadd.s32 s21, s7  }
0xa1: {  	[timem:s11], [sflag:s22] =	dma.local [hbm:s9], s20  }
0xa2: {  	_ =	swait.ge [sflag:s22], s20  }
0xa3: {  	s8 =	ssub.s32 $0x0, s20;
	[sflag:s22] =	ssyncset.done $0x0  }
0xa4: {  	[sflag:s22] =	ssyncadd.s32 s8;
	_ =	sdelay $0x1  }
0xa5: {  	s23 =	simm.s32 $0x1B8B  }
0xa6: {  	_ =	swait.ge [sflag:s23], $0x1  }
0xa7: {  	[sflag:s23] =	ssyncset.done $0x0  }
0xa8: {  	s25 =	simm.s32 $0x1B8E;
	s24 =	sld [smem:$0x3FFE];
	[sflag:s23] =	ssyncadd.s32 $0xFFFFFFFF  }
0xa9: {  	s26 =	simm.s32 $execute0_lowered;
	[smem:$0x3FD2] =	sst s25  }
0xaa: {  	s9 =	sshll.u32 s26, $0x1;
	_ =	strace $0x80000046;
	[dreg:$0x1] =	wrdreg $0xFFFFFFFF  }
0xab: {  	s28 =	simm.s32 $_size_execute0_lowered;
	s7 =	sadd.s32 s7, s9;
	[dreg:$0x0] =	wrdreg $0x0  }
0xac: {  	s9 =	sshll.u32 s28, $0x1;
	[dreg:$0x2] =	wrdreg s7  }
0xad: {  	[dreg:$0x3] =	wrdreg s9  }
0xae: {  	[dreg:$0x4] =	wrdreg $0xC0  }
0xaf: {  	_ =	task [dreg:s11], $0x5FFFF  }
0xb0: {  	[dreg:$0x1] =	wrdreg $0xFFFFFFFF  }
0xb1: {  	[dreg:$0x0] =	wrdreg $0x60  }
0xb2: {  	[dreg:$0x2] =	wrdreg s24  }
0xb3: {  	[dreg:$0x3] =	wrdreg s18  }
0xb4: {  	[dreg:$0x4] =	wrdreg s2  }
0xb5: {  	[dreg:$0x5] =	wrdreg s4  }
0xb6: {  	[dreg:$0x6] =	wrdreg s5  }
0xb7: {  	[dreg:$0x7] =	wrdreg s6  }
0xb8: {  	[dreg:$0x8] =	wrdreg $0xA0000  }
0xb9: {  	[dreg:$0x9] =	wrdreg $0xB8700  }
0xba: {  	[dreg:$0xa] =	wrdreg $0xD0E00  }
0xbb: {  	[dreg:$0xb] =	wrdreg $0x9  }
0xbc: {  	_ =	task.clear_ibuf [dreg:s11], $0xCFFFF;
	_ =	strace $0x90000046  }
0xbd: {  	s29 =	simm.s32 $0x9;
	_ =	strace $0x80000048  }
0xbe: {  	_ =	swait.ge [sflag:s29], $0x1  }
0xbf: {  	[sflag:s29] =	ssyncadd.s32 $0xFFFFFFFF  }
0xc0: {  	_ =	strace $0x90000048  }
0xc1: {  	_ =	sfence  }
0xc2: {  	s30 =	sld [smem:$0x0];
	_ =	sdelay $0x2  }
0xc3: {  	s31 =	sshll.u32 s1, $0xD;
	s1 =	sshrl.u32 s1, $0x2  }
0xc4: {  	s3 =	sand.u32 $0x4000, s31;
	s1 =	sadd.s32 s1, s30  }
0xc5: {  	s0 =	sor.u32 s3, s0;
	s1 =	sshll.u32 s1, $0x11  }
0xc6: {  	s0 =	sor.u32 s1, s0  }
0xc7: {  	s0 =	sadd.s32 $0x8F2B, s0  }
0xc8: {  	[sflag:s0] =	ssyncadd.remote.s32 $0x1  }
0xc9: {  	_ =	sfence.sel $0xFFFF  }
0xca: {  	[dreg:$0x0] =	wrdreg $0xFFFFFFFF;
	(pc) =	sbr.abs _section_cstart, $3  }
0xcb: {  	[dreg:$0x1] =	wrdreg $0xFFFFFFFF  }
0xcc: {  	_ =	task.clear_ibuf [dreg:s11], $0x2FFFF;
	_ =	strace $0x9FFFFFFF  }
0xcd: {  	(tm) =	ssettm $0x7FFFFFFF  }
tec
execute0_lowered:
.L_overlay_start_1:
0x0: {  	(tag) =	ssettag $0x1  }
0x1: {  	s16 =	rddreg [dreg:$0x0]  }
0x2: {  	s2 =	rddreg [dreg:$0x2]  }
0x3: {  	s3 =	rddreg [dreg:$0x3]  }
0x4: {  	s5 =	rddreg [dreg:$0x4]  }
0x5: {  	s6 =	rddreg [dreg:$0x5]  }
0x6: {  	s7 =	rddreg [dreg:$0x6]  }
0x7: {  	s8 =	rddreg [dreg:$0x7]  }
0x8: {  	s9 =	rddreg [dreg:$0x8]  }
0x9: {  	s0 =	srdreg.scid;
	s1 =	stileid.u32;
	s10 =	simm.s32 $0x0  }
0xa: {  	s31 =	simm.s32 $0x4800;
	s0 =	sand.u32 $0x1, s0;
	s4 =	sshll.u32 s1, $0x1  }
0xb: {  	[smem:$0x7FF] =	sst s10;
	s4 =	sor.u32 s0, s4;
	s0 =	ssub.s32 $0x2, s0  }
0xc: {  	s12 =	sadd.s32 $0x189E00, s16;
	s11 =	smul.u32 $0x30D40, s4;
	s28 =	sshrl.u32 s0, $0x1  }
0xd: {  	s13 =	sadd.s32 $0xC6800, s16;
	s14 =	sadd.s32 $0x3200, s16;
	s0 =	ssub.s32 s0, s28  }
0xe: {  	p0 =	sne.s32 s1, $0x0;
	s29 =	sshrl.u32 s11, $0x3;
	s0 =	smax.u32 s0, $0x1  }
0xf: {  	_ =	strace $0x80000047;
	s15 =	sadd.s32 s3, s29;
	[dreg:$0x16] =	wrdreg s0  }
0x10: {  	s1 =	simm.s32 $0x5800;
	s17 =	sadd.s32 s5, s29;
	[dreg:$0xa] =	wrdreg s15  }
0x11: {  	s30 =	sadd.s32 $0xFA0, s11;
	s18 =	sadd.s32 s2, s29;
	[dreg:$0xb] =	wrdreg s17  }
0x12: {  	s19 =	sadd.s32 s12, s29;
	s20 =	sadd.s32 s13, s29;
	[dreg:$0xc] =	wrdreg s18  }
0x13: {  	s21 =	sadd.s32 $0xFA, s29;
	s4 =	sadd.s32 s14, s29;
	[dreg:$0xd] =	wrdreg s19  }
0x14: {  	s29 =	sadd.s32 $0x24D400, s16;
	s0 =	simm.s32 $0x1;
	[dreg:$0xe] =	wrdreg s20  }
0x15: {  	s16 =	simm.s32 $0x3;
	[dreg:$0xf] =	wrdreg s4;
	s22 =	sadd.s32 s3, s21  }
0x16: {  	s23 =	sadd.s32 s5, s21;
	s24 =	sadd.s32 s2, s21;
	[dreg:$0x17] =	wrdreg s29  }
0x17: {  	s25 =	sadd.s32 s12, s21;
	s26 =	sadd.s32 s13, s21;
	[dreg:$0x10] =	wrdreg s22  }
.Ltmp0:
0x18: {  	s28 =	sadd.s32 s14, s21;
	[dreg:$0x11] =	wrdreg s23;
	(pc) =	sbr.rel .LBB2_1-.Ltmp0, $4  }
0x19: {  	s4 =	simm.s32 $0x5000;
	s15 =	simm.s32 $0x7D0;
	[dreg:$0x12] =	wrdreg s24  }
0x1a: {  	s17 =	simm.s32 $0x2;
	s18 =	simm.s32 $0x9800;
	[dreg:$0x13] =	wrdreg s25  }
0x1b: {  	s20 =	simm.s32 $0x8000;
	s21 =	simm.s32 $0x8800;
	[dreg:$0x14] =	wrdreg s26  }
0x1c: {  	[dreg:$0x15] =	wrdreg s28;
	s22 =	simm.s32 $0x9000;
	s24 =	simm.s32 $0x0  }
.LBB2_10:
0x1d: {  	s23 =	simm.s32 $0x4  }
0x1e: {  	_ =	swait.ge [sflag:s23], $0x7D0  }
0x1f: {  	[sflag:s23] =	ssyncset.done $0x0  }
0x20: {  	[sflag:s23] =	ssyncadd.s32 $0xFFFFF830  }
0x21: {  	_ =	swait.ge [sflag:s23], $0x7D0  }
0x22: {  	s24 =	rddreg [dreg:$0x18]  }
0x23: {  	s19 =	rddreg [dreg:$0x16];
	s24 =	sadd.s32 $0x1, s24  }
0x24: {  	p1 =	sne.s32 s24, s19  }
.Ltmp1:
0x25: {  	_ = 	snop;
	(pc) =	sbr.rel @!p1 .LBB2_11-.Ltmp1, $3  }
0x26: {  	_ =	sdelay $0x1  }
0x27: {  	[sflag:s23] =	ssyncset.done $0x0  }
0x28: {  	[sflag:s23] =	ssyncadd.s32 $0xFFFFF830  }
.LBB2_1:
0x29: {  	[dreg:$0x18] =	wrdreg s24  }
0x2a: {  	s19 =	sshrl.u32 @!p0 s7, $0x3;
	s23 =	simm.s32 @!p0 $0x1C05;
	s24 =	rddreg [dreg:$0x17]  }
0x2b: {  	[spmem:s19], [sflag:s23] =	dma.local @!p0 [hbm:s24], $0x30E0  }
0x2c: {  	s19 =	simm.s32 @!p0 $0x5  }
0x2d: {  	_ =	swait.ge @!p0 [sflag:s19], $0x30E0  }
0x2e: {  	[sflag:s19] =	ssyncset.done @!p0 $0x0  }
0x2f: {  	[sflag:s19] =	ssyncadd.s32 @!p0 $0xFFFFCF20  }
0x30: {  	s24 =	sshrl.u32 @!p0 s8, $0x3;
	s25 =	rddreg [dreg:$0x0]  }
0x31: {  	[spmem:s24], [sflag:s23] =	dma.local @!p0 [hbm:s25], $0x30E0  }
0x32: {  	_ =	swait.ge @!p0 [sflag:s19], $0x30E0  }
0x33: {  	[sflag:s19] =	ssyncset.done @!p0 $0x0  }
0x34: {  	[sflag:s19] =	ssyncadd.s32 @!p0 $0xFFFFCF20  }
0x35: {  	s24 =	sshrl.u32 @!p0 s9, $0x3;
	s25 =	rddreg [dreg:$0x1]  }
0x36: {  	[spmem:s24], [sflag:s23] =	dma.local @!p0 [hbm:s25], $0x30E0  }
0x37: {  	_ =	swait.ge @!p0 [sflag:s19], $0x30E0  }
0x38: {  	[sflag:s19] =	ssyncset.done @!p0 $0x0  }
0x39: {  	[sflag:s19] =	ssyncadd.s32 @!p0 $0xFFFFCF20  }
0x3a: {  	[bflag:$0x0] =	sbarrier.arrive $0xFFFF  }
0x3b: {  	s23 =	rddreg [dreg:$0xa]  }
0x3c: {  	[tilespmem:s10], [sflag:$0x1] =	stream.linear.gather [hbm4b:s23+s10], $0x7D0, $0x38;
	[tilespmem:$0xE950] =	vst v63  }
0x3d: {  	s24 =	rddreg [dreg:$0xb];
	s23 =	simm.s32 $0x800  }
0x3e: {  	[tilespmem:s23], [sflag:$0x1] =	stream.linear.gather [hbm4b:s24+s10], $0x7D0, $0x38;
	[tilespmem:$0xE950] =	vst v63  }
0x3f: {  	s26 =	simm.s32 $0x1000;
	s25 =	rddreg [dreg:$0xc]  }
0x40: {  	[tilespmem:s26], [sflag:$0x2] =	stream.linear.gather [hbm4b:s25+s10], $0x7D0, $0x38;
	[tilespmem:$0xE950] =	vst v63  }
0x41: {  	s29 =	simm.s32 $0x1800;
	s28 =	rddreg [dreg:$0xd]  }
0x42: {  	[tilespmem:s29], [sflag:$0x2] =	stream.linear.gather [hbm4b:s28+s10], $0x7D0, $0x38;
	[tilespmem:$0xE950] =	vst v63  }
0x43: {  	s25 =	rddreg [dreg:$0xe];
	s26 =	simm.s32 $0x2000  }
0x44: {  	[tilespmem:s26], [sflag:$0x2] =	stream.linear.gather [hbm4b:s25+s10], $0x7D0, $0x38;
	[tilespmem:$0xE950] =	vst v63  }
0x45: {  	s28 =	rddreg [dreg:$0xf];
	s29 =	simm.s32 $0x2800  }
0x46: {  	[tilespmem:s29], [sflag:$0x2] =	stream.linear.gather [hbm4b:s28+s10], $0x7D0, $0x38;
	[tilespmem:$0xE950] =	vst v63  }
0x47: {  	s25 =	rddreg [dreg:$0x10]  }
0x48: {  	[tilespmem:s4], [sflag:$0x1] =	stream.linear.gather [hbm4b:s25+s10], $0x7D0, $0x38;
	[tilespmem:$0xE950] =	vst v63  }
0x49: {  	s26 =	rddreg [dreg:$0x11]  }
0x4a: {  	[tilespmem:s1], [sflag:$0x1] =	stream.linear.gather [hbm4b:s26+s10], $0x7D0, $0x38;
	[tilespmem:$0xE950] =	vst v63  }
0x4b: {  	s28 =	rddreg [dreg:$0x12];
	s29 =	simm.s32 $0x6000  }
0x4c: {  	[tilespmem:s29], [sflag:$0x2] =	stream.linear.gather [hbm4b:s28+s10], $0x7D0, $0x38;
	[tilespmem:$0xE950] =	vst v63  }
0x4d: {  	s25 =	rddreg [dreg:$0x13];
	s26 =	simm.s32 $0x6800  }
0x4e: {  	[tilespmem:s26], [sflag:$0x2] =	stream.linear.gather [hbm4b:s25+s10], $0x7D0, $0x38;
	[tilespmem:$0xE950] =	vst v63  }
0x4f: {  	s28 =	rddreg [dreg:$0x14];
	s29 =	simm.s32 $0x7000  }
0x50: {  	[tilespmem:s29], [sflag:$0x2] =	stream.linear.gather [hbm4b:s28+s10], $0x7D0, $0x38;
	[tilespmem:$0xE950] =	vst v63  }
0x51: {  	s24 =	rddreg [dreg:$0x15];
	s25 =	simm.s32 $0x7800  }
0x52: {  	[tilespmem:s25], [sflag:$0x2] =	stream.linear.gather [hbm4b:s24+s10], $0x7D0, $0x38;
	[tilespmem:$0xE950] =	vst v63  }
0x53: {  	_ =	swait.ge [sflag:s0], $0x7D0  }
0x54: {  	[sflag:s0] =	ssyncset.done $0x0  }
0x55: {  	[sflag:s0] =	ssyncadd.s32 $0xFFFFF830  }
0x56: {  	_ =	swait.ge [sflag:s0], $0x7D0  }
0x57: {  	[sflag:s0] =	ssyncset.done $0x0  }
0x58: {  	s26 =	simm.s32 $0x3000;
	[sflag:s0] =	ssyncadd.s32 $0xFFFFF830  }
0x59: {  	[tilespmem:s26], [sflag:$0x3] =	stream.indirect.gather [spmem:s7], $0x1, s10, s15, $0xb8;
	[tilespmem:$0xE950] =	vst v63  }
.Ltmp2:
0x5a: {  	_ = 	snop;
	(pc) =	sbr.rel .LBB2_2-.Ltmp2, $4  }
0x5b: {  	s28 =	simm.s32 $0x3800  }
0x5c: {  	[tilespmem:s28], [sflag:$0x3] =	stream.indirect.gather [spmem:s8], $0x1, s10, s15, $0xb8;
	[tilespmem:$0xE950] =	vst v63  }
0x5d: {  	s29 =	simm.s32 $0x4000;
	s24 =	simm.s32 $0x0  }
0x5e: {  	[tilespmem:s29], [sflag:$0x3] =	stream.indirect.gather [spmem:s9], $0x1, s23, s15, $0xb8;
	[tilespmem:$0xE950] =	vst v63  }
.LBB2_9:
0x5f: {  	s24 =	sadd.s32 $0x1, s24  }
0x60: {  	p1 =	sne.s32 s24, $0x64  }
.Ltmp3:
0x61: {  	_ = 	snop;
	(pc) =	sbr.rel @!p1 .LBB2_10-.Ltmp3, $1  }
0x62: {  	_ =	sdelay $0x3  }
.LBB2_2:
0x63: {  	s25 =	sand.u32 $0x1, s24  }
0x64: {  	p1 =	seq.s32 s25, $0x1  }
.Ltmp4:
0x65: {  	_ = 	snop;
	(pc) =	sbr.rel @p1 .LBB2_6-.Ltmp4, $1  }
0x66: {  	_ =	sdelay $0x3  }
0x67: {  	_ =	swait.ge [sflag:s0], $0x7D0  }
0x68: {  	[sflag:s0] =	ssyncset.done $0x0  }
0x69: {  	[sflag:s0] =	ssyncadd.s32 $0xFFFFF830  }
0x6a: {  	_ =	swait.ge [sflag:s0], $0x7D0  }
0x6b: {  	[sflag:s0] =	ssyncset.done $0x0  }
0x6c: {  	[sflag:s0] =	ssyncadd.s32 $0xFFFFF830  }
0x6d: {  	[tilespmem:s20], [sflag:$0x3] =	stream.indirect.gather [spmem:s7], $0x1, s4, s15, $0xb8;
	[tilespmem:$0xE950] =	vst v63  }
0x6e: {  	_ = 	snop  }
0x6f: {  	[tilespmem:s21], [sflag:$0x3] =	stream.indirect.gather [spmem:s8], $0x1, s4, s15, $0xb8;
	[tilespmem:$0xE950] =	vst v63  }
0x70: {  	_ = 	snop  }
0x71: {  	[tilespmem:s22], [sflag:$0x3] =	stream.indirect.gather [spmem:s9], $0x1, s1, s15, $0xb8;
	[tilespmem:$0xE950] =	vst v63  }
0x72: {  	_ =	swait.ge [sflag:s16], $0x7D0  }
0x73: {  	[sflag:s16] =	ssyncset.done $0x0  }
0x74: {  	[sflag:s16] =	ssyncadd.s32 $0xFFFFF830  }
0x75: {  	_ =	swait.ge [sflag:s16], $0x7D0  }
0x76: {  	[sflag:s16] =	ssyncset.done $0x0  }
0x77: {  	[sflag:s16] =	ssyncadd.s32 $0xFFFFF830  }
0x78: {  	_ =	swait.ge [sflag:s16], $0x7D0  }
0x79: {  	[sflag:s16] =	ssyncset.done $0x0  }
0x7a: {  	[sflag:s16] =	ssyncadd.s32 $0xFFFFF830  }
0x7b: {  	_ =	swait.ge [sflag:s17], $0x7D0  }
0x7c: {  	[sflag:s17] =	ssyncset.done $0x0  }
0x7d: {  	[sflag:s17] =	ssyncadd.s32 $0xFFFFF830  }
0x7e: {  	_ =	swait.ge [sflag:s17], $0x7D0  }
0x7f: {  	[sflag:s17] =	ssyncset.done $0x0  }
0x80: {  	[sflag:s17] =	ssyncadd.s32 $0xFFFFF830  }
0x81: {  	_ =	swait.ge [sflag:s17], $0x7D0  }
0x82: {  	[sflag:s17] =	ssyncset.done $0x0  }
0x83: {  	[sflag:s17] =	ssyncadd.s32 $0xFFFFF830  }
0x84: {  	_ =	swait.ge [sflag:s17], $0x7D0  }
0x85: {  	p1 =	slt.u32 s24, $0x2;
	[sflag:s17] =	ssyncset.done $0x0  }
0x86: {  	s19 =	simm.s32 @!p1 $0x4;
	[sflag:s17] =	ssyncadd.s32 $0xFFFFF830  }
0x87: {  	_ =	swait.ge @!p1 [sflag:s19], $0x7D0  }
0x88: {  	[sflag:s19] =	ssyncset.done @!p1 $0x0  }
0x89: {  	[sflag:s19] =	ssyncadd.s32 @!p1 $0xFFFFF830;
	s19 =	simm.s32 $0x0  }
0x8a: {  	v3 =	vld [tilespmem:s19+$0x1000];
	_ =	sdelay $0x3  }
0x8b: {  	v1 =	vld [tilespmem:s19+$0x3800]  }
0x8c: {  	v2 =	vld [tilespmem:s19+$0x1800];
	(erf) = vrcp.f32 v3  }
0x8d: {  	v4 =	vld [tilespmem:s19+$0x2000]  }
0x8e: {  	v5 =	vld [tilespmem:s19+$0x3000]  }
0x8f: {  	s26 =	simm.s32 $0x10;
	v6 =	vld [tilespmem:s19+$0x2800]  }
0x90: {  	v0 =	vld [tilespmem:s26+$0x1000]  }
0x91: {  	v8 =	vld [tilespmem:s26+$0x3800];
	v7 =	vand.u32 $0xFFFF0000, v1;
	v1 =	vshll.u32 v1, $0x10  }
0x92: {  	v10 =	vld [tilespmem:s26+$0x2000];
	v2 =	vmul.f32 v7, v2;
	v1 =	vmul.f32 v1, v4  }
0x93: {  	v7 =	vld [tilespmem:s26+$0x1800];
	v4 =	vshll.u32 v5, $0x10  }
0x94: {  	v11 =	vld [tilespmem:s26+$0x2800];
	v4 =	vmul.f32 v4, v6;
	v1 =	vadd.f32 v1, v2  }
0x95: {  	s28 =	simm.s32 $0x20;
	v2 =	vld [tilespmem:s26+$0x3000];
	v13 =	vpop (erf);
	(erf) = vrcp.f32 v0  }
0x96: {  	v12 =	vand.u32 $0xFFFF0000, v8;
	v8 =	vshll.u32 v8, $0x10;
	v6 =	vadd.f32 v4, v1;
	v1 =	vld [tilespmem:s28+$0x1000]  }
0x97: {  	v9 =	vld [tilespmem:s19+$0x4000];
	v10 =	vmul.f32 v8, v10  }
0x98: {  	v8 =	vld [tilespmem:s28+$0x2000];
	v12 =	vmul.f32 v12, v7;
	v14 =	vmul.f32 v6, v13  }
0x99: {  	v6 =	vld [tilespmem:s28+$0x3800]  }
0x9a: {  	v7 =	vld [tilespmem:s28+$0x1800];
	v15 =	vshll.u32 v2, $0x10;
	v10 =	vadd.f32 v10, v12;
	v14 =	vmul.f32 v14, v13  }
0x9b: {  	v4 =	vld [tilespmem:s26+$0x4000];
	v12 =	vand.u32 $0xFFFF0000, v5;
	v15 =	vmul.f32 v15, v11;
	(erf) = vrcp.f32 v1  }
0x9c: {  	v5 =	vld [tilespmem:s28+$0x3000];
	v11 =	vmul.f32 v9, v13;
	v12 =	vsub.f32 v12, v14  }
0x9d: {  	s29 =	simm.s32 $0x30;
	s23 =	simm.s32 $0x100;
	v9 =	vld [tilespmem:s28+$0x2800];
	v10 =	vadd.f32 v15, v10  }
.LBB2_4:
0x9e: {  	p1 =	sne.s32 s23, $0x1F00;
	v13 =	vld [tilespmem:s29+$0x1000];
	v14 =	vand.u32 $0xFFFF0000, v6;
	v15 =	vpop (erf);
	v11 =	vmul.f32 v12, v11  }
0x9f: {  	v12 =	vshll.u32 v6, $0x10;
	v16 =	vld [tilespmem:s28+$0x4000];
	v14 =	vmul.f32 v14, v7;
	v10 =	vmul.f32 v10, v15  }
.Ltmp5:
0xa0: {  	vm0 =	vle.f32 v3, $8.999999760e-01;
	v6 =	vld [tilespmem:s29+$0x3800];
	v12 =	vmul.f32 v12, v8;
	v11 =	vmul.f32 $1.439964490e+01, v11;
	(pc) =	sbr.rel @p1 .LBB2_4-.Ltmp5, $4  }
0xa1: {  	v18 =	vand.u32 $0xFFFF0000, v2;
	v3 =	vmovc v0;
	v0 =	vmovc v1;
	v7 =	vld [tilespmem:s29+$0x1800];
	v17 =	vshll.u32 v5, $0x10;
	v10 =	vmul.f32 v10, v15  }
0xa2: {  	v2 =	vmovc v5;
	v8 =	vld [tilespmem:s29+$0x2000];
	v14 =	vadd.f32 v12, v14;
	v17 =	vmul.f32 v17, v9;
	v9 =	vnsel vm0, $0x0, v11  }
0xa3: {  	v11 =	vmul.f32 v4, v15;
	v5 =	vld [tilespmem:s29+$0x3000];
	(erf) = vrcp.f32 v13;
	v12 =	vsub.f32 v18, v10;
	[tilespmem:s19+$0x4800] =	vst v9;
	v1 =	vmovc v13;
	s19 =	smov.u32 s26;
	s26 =	smov.u32 s28;
	s28 =	smov.u32 s29  }
0xa4: {  	s29 =	sshra.s32 s23, $0x2;
	s23 =	sadd.s32 $0x40, s23;
	v9 =	vld [tilespmem:s28+$0x2800];
	v10 =	vadd.f32 v17, v14;
	v4 =	vmov v16  }
0xa5: {  	v13 =	vld [tilespmem:s29+$0x1000];
	v11 =	vmul.f32 v12, v11  }
0xa6: {  	v42 =	vld [tilespmem:s28+$0x4000]  }
0xa7: {  	v14 =	vld [tilespmem:s29+$0x3800];
	v11 =	vmul.f32 $1.439964490e+01, v11  }
0xa8: {  	v15 =	vld [tilespmem:s29+$0x1800];
	vm0 =	vle.f32 v3, $8.999999760e-01  }
0xa9: {  	v43 =	vld [tilespmem:s29+$0x2000];
	v11 =	vnsel vm0, $0x0, v11  }
0xaa: {  	v16 =	vld [tilespmem:s29+$0x3000];
	(erf) = vrcp.f32 v13;
	[tilespmem:s19+$0x4800] =	vst v11  }
0xab: {  	v44 =	vand.u32 $0xFFFF0000, v6;
	v17 =	vld [tilespmem:s29+$0x2800]  }
0xac: {  	v45 =	vshll.u32 v6, $0x10;
	v7 =	vmul.f32 v44, v7  }
0xad: {  	v6 =	vmul.f32 v45, v8;
	v46 =	vand.u32 $0xFFFF0000, v14;
	v47 =	vshll.u32 v14, $0x10  }
0xae: {  	v48 =	vshll.u32 v5, $0x10;
	v8 =	vmul.f32 v46, v15;
	v3 =	vmul.f32 v47, v43  }
0xaf: {  	v6 =	vadd.f32 v6, v7;
	v49 =	vmul.f32 v48, v9;
	v50 =	vshll.u32 v16, $0x10  }
0xb0: {  	v3 =	vadd.f32 v3, v8;
	v51 =	vmul.f32 v50, v17  }
0xb1: {  	v52 =	vpop (erf);
	v6 =	vadd.f32 v49, v6  }
0xb2: {  	v53 =	vmul.f32 v10, v52;
	v54 =	vpop (erf);
	v3 =	vadd.f32 v51, v3  }
0xb3: {  	v55 =	vld [tilespmem:s29+$0x4000];
	v6 =	vmul.f32 v6, v54;
	v56 =	vpop (erf)  }
0xb4: {  	v7 =	vmul.f32 v53, v52;
	v3 =	vmul.f32 v3, v56  }
0xb5: {  	v2 =	vand.u32 $0xFFFF0000, v2;
	v4 =	vmul.f32 v4, v52;
	v6 =	vmul.f32 v6, v54  }
0xb6: {  	v57 =	vand.u32 $0xFFFF0000, v5;
	v2 =	vsub.f32 v2, v7;
	v3 =	vmul.f32 v3, v56  }
0xb7: {  	v59 =	vand.u32 $0xFFFF0000, v16;
	v58 =	vmul.f32 v42, v54;
	v5 =	vsub.f32 v57, v6  }
0xb8: {  	v2 =	vmul.f32 v2, v4;
	v60 =	vmul.f32 v55, v56;
	v3 =	vsub.f32 v59, v3  }
0xb9: {  	v5 =	vmul.f32 v5, v58  }
0xba: {  	v2 =	vmul.f32 $1.439964490e+01, v2;
	v3 =	vmul.f32 v3, v60  }
0xbb: {  	vm13 =	vle.f32 v0, $8.999999760e-01;
	s19 =	smul.u32 $0x7D0, s24;
	v61 =	vmul.f32 $1.439964490e+01, v5  }
0xbc: {  	vm14 =	vle.f32 v1, $8.999999760e-01;
	v2 =	vnsel vm13, $0x0, v2;
	v62 =	vmul.f32 $1.439964490e+01, v3  }
0xbd: {  	p1 =	sgt.u32 s24, $0x61;
	vm15 =	vle.f32 v13, $8.999999760e-01;
	s23 =	sadd.s32 s11, s19;
	[tilespmem:s26+$0x4800] =	vst v2;
	v0 =	vnsel vm14, $0x0, v61  }
0xbe: {  	s19 =	sadd.s32 @!p1 s19, s30;
	s23 =	sshrl.u32 s23, $0x3;
	[tilespmem:s28+$0x4800] =	vst v0;
	v63 =	vnsel vm15, $0x0, v62  }
0xbf: {  	s19 =	sshrl.u32 @!p1 s19, $0x3;
	s23 =	sadd.s32 s6, s23;
	[tilespmem:s29+$0x4800] =	vst v63  }
0xc0: {  	[hbm4b:s23+s10] =	stream.linear.scatter [tilespmem:s31], [sflag:$0x4], $0x7D0, $0x38;
	[tilespmem:$0xE950] =	vst v63  }
0xc1: {  	s26 =	simm.s32 @!p1 $0x0;
	s23 =	sadd.s32 @!p1 s3, s19  }
0xc2: {  	[tilespmem:s26], [sflag:$0x1] =	stream.linear.gather @!p1 [hbm4b:s23+s26], $0x7D0, $0x38;
	[tilespmem:$0xE950] =	vst v63  }
0xc3: {  	s28 =	simm.s32 @!p1 $0x800;
	s23 =	sadd.s32 @!p1 s5, s19  }
0xc4: {  	[tilespmem:s28], [sflag:$0x1] =	stream.linear.gather @!p1 [hbm4b:s23+s26], $0x7D0, $0x38;
	[tilespmem:$0xE950] =	vst v63  }
0xc5: {  	s23 =	sadd.s32 @!p1 s2, s19;
	s28 =	simm.s32 @!p1 $0x1000  }
0xc6: {  	[tilespmem:s28], [sflag:$0x2] =	stream.linear.gather @!p1 [hbm4b:s23+s26], $0x7D0, $0x38;
	[tilespmem:$0xE950] =	vst v63  }
0xc7: {  	s23 =	sadd.s32 @!p1 s12, s19;
	s28 =	simm.s32 @!p1 $0x1800  }
0xc8: {  	[tilespmem:s28], [sflag:$0x2] =	stream.linear.gather @!p1 [hbm4b:s23+s26], $0x7D0, $0x38;
	[tilespmem:$0xE950] =	vst v63  }
0xc9: {  	s23 =	sadd.s32 @!p1 s13, s19;
	s28 =	simm.s32 @!p1 $0x2000  }
0xca: {  	[tilespmem:s28], [sflag:$0x2] =	stream.linear.gather @!p1 [hbm4b:s23+s26], $0x7D0, $0x38;
	[tilespmem:$0xE950] =	vst v63  }
0xcb: {  	s19 =	sadd.s32 @!p1 s14, s19;
	s23 =	simm.s32 @!p1 $0x2800  }
0xcc: {  	[tilespmem:s23], [sflag:$0x2] =	stream.linear.gather @!p1 [hbm4b:s19+s26], $0x7D0, $0x38;
	[tilespmem:$0xE950] =	vst v63  }
0xcd: {  	p1 =	seq.s32 s25, $0x0  }
.Ltmp6:
0xce: {  	_ = 	snop;
	(pc) =	sbr.rel @p1 .LBB2_9-.Ltmp6, $1  }
0xcf: {  	_ =	sdelay $0x3  }
.LBB2_6:
0xd0: {  	p1 =	seq.s32 s24, $0x63  }
0xd1: {  	s19 =	simm.s32 @!p1 $0x1  }
0xd2: {  	_ =	swait.ge @!p1 [sflag:s19], $0x7D0  }
0xd3: {  	[sflag:s19] =	ssyncset.done @!p1 $0x0  }
0xd4: {  	[sflag:s19] =	ssyncadd.s32 @!p1 $0xFFFFF830  }
0xd5: {  	_ =	swait.ge @!p1 [sflag:s19], $0x7D0  }
0xd6: {  	s23 =	simm.s32 @!p1 $0x0;
	[sflag:s19] =	ssyncset.done @!p1 $0x0  }
0xd7: {  	s25 =	simm.s32 @!p1 $0x3000;
	[sflag:s19] =	ssyncadd.s32 @!p1 $0xFFFFF830;
	s19 =	simm.s32 @!p1 $0x7D0  }
0xd8: {  	[tilespmem:s25], [sflag:$0x3] =	stream.indirect.gather @!p1 [spmem:s7], $0x1, s23, s19, $0xb8;
	[tilespmem:$0xE950] =	vst v63  }
0xd9: {  	s25 =	simm.s32 @!p1 $0x3800  }
0xda: {  	[tilespmem:s25], [sflag:$0x3] =	stream.indirect.gather @!p1 [spmem:s8], $0x1, s23, s19, $0xb8;
	[tilespmem:$0xE950] =	vst v63  }
0xdb: {  	s23 =	simm.s32 @!p1 $0x800;
	s25 =	simm.s32 @!p1 $0x4000  }
0xdc: {  	[tilespmem:s25], [sflag:$0x3] =	stream.indirect.gather @!p1 [spmem:s9], $0x1, s23, s19, $0xb8;
	[tilespmem:$0xE950] =	vst v63  }
0xdd: {  	_ =	swait.ge [sflag:s16], $0x7D0  }
0xde: {  	[sflag:s16] =	ssyncset.done $0x0  }
0xdf: {  	[sflag:s16] =	ssyncadd.s32 $0xFFFFF830  }
0xe0: {  	_ =	swait.ge [sflag:s16], $0x7D0  }
0xe1: {  	[sflag:s16] =	ssyncset.done $0x0  }
0xe2: {  	[sflag:s16] =	ssyncadd.s32 $0xFFFFF830  }
0xe3: {  	_ =	swait.ge [sflag:s16], $0x7D0  }
0xe4: {  	[sflag:s16] =	ssyncset.done $0x0  }
0xe5: {  	[sflag:s16] =	ssyncadd.s32 $0xFFFFF830  }
0xe6: {  	_ =	swait.ge [sflag:s17], $0x7D0  }
0xe7: {  	[sflag:s17] =	ssyncset.done $0x0  }
0xe8: {  	[sflag:s17] =	ssyncadd.s32 $0xFFFFF830  }
0xe9: {  	_ =	swait.ge [sflag:s17], $0x7D0  }
0xea: {  	[sflag:s17] =	ssyncset.done $0x0  }
0xeb: {  	[sflag:s17] =	ssyncadd.s32 $0xFFFFF830  }
0xec: {  	_ =	swait.ge [sflag:s17], $0x7D0  }
0xed: {  	[sflag:s17] =	ssyncset.done $0x0  }
0xee: {  	[sflag:s17] =	ssyncadd.s32 $0xFFFFF830  }
0xef: {  	_ =	swait.ge [sflag:s17], $0x7D0  }
0xf0: {  	p1 =	slt.u32 s24, $0x2;
	[sflag:s17] =	ssyncset.done $0x0  }
0xf1: {  	s19 =	simm.s32 @!p1 $0x4;
	[sflag:s17] =	ssyncadd.s32 $0xFFFFF830  }
0xf2: {  	_ =	swait.ge @!p1 [sflag:s19], $0x7D0  }
0xf3: {  	[sflag:s19] =	ssyncset.done @!p1 $0x0  }
0xf4: {  	[sflag:s19] =	ssyncadd.s32 @!p1 $0xFFFFF830;
	s19 =	simm.s32 $0x0  }
0xf5: {  	v3 =	vld [tilespmem:s19+$0x6000];
	_ =	sdelay $0x3  }
0xf6: {  	v1 =	vld [tilespmem:s19+$0x8800]  }
0xf7: {  	v2 =	vld [tilespmem:s19+$0x6800];
	(erf) = vrcp.f32 v3  }
0xf8: {  	v4 =	vld [tilespmem:s19+$0x7000]  }
0xf9: {  	v5 =	vld [tilespmem:s19+$0x8000]  }
0xfa: {  	s25 =	simm.s32 $0x10;
	v6 =	vld [tilespmem:s19+$0x7800]  }
0xfb: {  	v0 =	vld [tilespmem:s25+$0x6000]  }
0xfc: {  	v8 =	vld [tilespmem:s25+$0x8800];
	v7 =	vand.u32 $0xFFFF0000, v1;
	v1 =	vshll.u32 v1, $0x10  }
0xfd: {  	v10 =	vld [tilespmem:s25+$0x7000];
	v2 =	vmul.f32 v7, v2;
	v1 =	vmul.f32 v1, v4  }
0xfe: {  	v7 =	vld [tilespmem:s25+$0x6800];
	v4 =	vshll.u32 v5, $0x10  }
0xff: {  	v11 =	vld [tilespmem:s25+$0x7800];
	v4 =	vmul.f32 v4, v6;
	v1 =	vadd.f32 v1, v2  }
0x100: {  	s26 =	simm.s32 $0x20;
	v2 =	vld [tilespmem:s25+$0x8000];
	v13 =	vpop (erf);
	(erf) = vrcp.f32 v0  }
0x101: {  	v12 =	vand.u32 $0xFFFF0000, v8;
	v8 =	vshll.u32 v8, $0x10;
	v6 =	vadd.f32 v4, v1;
	v1 =	vld [tilespmem:s26+$0x6000]  }
0x102: {  	v9 =	vld [tilespmem:s19+$0x9000];
	v10 =	vmul.f32 v8, v10  }
0x103: {  	v8 =	vld [tilespmem:s26+$0x7000];
	v12 =	vmul.f32 v12, v7;
	v14 =	vmul.f32 v6, v13  }
0x104: {  	v6 =	vld [tilespmem:s26+$0x8800]  }
0x105: {  	v7 =	vld [tilespmem:s26+$0x6800];
	v15 =	vshll.u32 v2, $0x10;
	v10 =	vadd.f32 v10, v12;
	v14 =	vmul.f32 v14, v13  }
0x106: {  	v4 =	vld [tilespmem:s25+$0x9000];
	v12 =	vand.u32 $0xFFFF0000, v5;
	v15 =	vmul.f32 v15, v11;
	(erf) = vrcp.f32 v1  }
0x107: {  	v5 =	vld [tilespmem:s26+$0x8000];
	v11 =	vmul.f32 v9, v13;
	v12 =	vsub.f32 v12, v14  }
0x108: {  	s28 =	simm.s32 $0x30;
	s23 =	simm.s32 $0x100;
	v9 =	vld [tilespmem:s26+$0x7800];
	v10 =	vadd.f32 v15, v10  }
.LBB2_7:
0x109: {  	p1 =	sne.s32 s23, $0x1F00;
	v13 =	vld [tilespmem:s28+$0x6000];
	v14 =	vand.u32 $0xFFFF0000, v6;
	v15 =	vpop (erf);
	v11 =	vmul.f32 v12, v11  }
0x10a: {  	v12 =	vshll.u32 v6, $0x10;
	v16 =	vld [tilespmem:s26+$0x9000];
	v14 =	vmul.f32 v14, v7;
	v10 =	vmul.f32 v10, v15  }
.Ltmp7:
0x10b: {  	vm0 =	vle.f32 v3, $8.999999760e-01;
	v6 =	vld [tilespmem:s28+$0x8800];
	v12 =	vmul.f32 v12, v8;
	v11 =	vmul.f32 $1.439964490e+01, v11;
	(pc) =	sbr.rel @p1 .LBB2_7-.Ltmp7, $4  }
0x10c: {  	v18 =	vand.u32 $0xFFFF0000, v2;
	v3 =	vmovc v0;
	v0 =	vmovc v1;
	v7 =	vld [tilespmem:s28+$0x6800];
	v17 =	vshll.u32 v5, $0x10;
	v10 =	vmul.f32 v10, v15  }
0x10d: {  	v2 =	vmovc v5;
	v8 =	vld [tilespmem:s28+$0x7000];
	v14 =	vadd.f32 v12, v14;
	v17 =	vmul.f32 v17, v9;
	v9 =	vnsel vm0, $0x0, v11  }
0x10e: {  	v11 =	vmul.f32 v4, v15;
	v5 =	vld [tilespmem:s28+$0x8000];
	(erf) = vrcp.f32 v13;
	v12 =	vsub.f32 v18, v10;
	[tilespmem:s19+$0x9800] =	vst v9;
	v1 =	vmovc v13;
	s19 =	smov.u32 s25;
	s25 =	smov.u32 s26;
	s26 =	smov.u32 s28  }
0x10f: {  	s28 =	sshra.s32 s23, $0x2;
	s23 =	sadd.s32 $0x40, s23;
	v9 =	vld [tilespmem:s26+$0x7800];
	v10 =	vadd.f32 v17, v14;
	v4 =	vmov v16  }
0x110: {  	v13 =	vld [tilespmem:s28+$0x6000];
	v11 =	vmul.f32 v12, v11  }
0x111: {  	v42 =	vld [tilespmem:s26+$0x9000]  }
0x112: {  	v14 =	vld [tilespmem:s28+$0x8800];
	v11 =	vmul.f32 $1.439964490e+01, v11  }
0x113: {  	v15 =	vld [tilespmem:s28+$0x6800];
	vm0 =	vle.f32 v3, $8.999999760e-01  }
0x114: {  	v43 =	vld [tilespmem:s28+$0x7000];
	v11 =	vnsel vm0, $0x0, v11  }
0x115: {  	v16 =	vld [tilespmem:s28+$0x8000];
	(erf) = vrcp.f32 v13;
	[tilespmem:s19+$0x9800] =	vst v11  }
0x116: {  	v44 =	vand.u32 $0xFFFF0000, v6;
	v17 =	vld [tilespmem:s28+$0x7800]  }
0x117: {  	v45 =	vshll.u32 v6, $0x10;
	v7 =	vmul.f32 v44, v7  }
0x118: {  	v6 =	vmul.f32 v45, v8;
	v46 =	vand.u32 $0xFFFF0000, v14;
	v47 =	vshll.u32 v14, $0x10  }
0x119: {  	v48 =	vshll.u32 v5, $0x10;
	v8 =	vmul.f32 v46, v15;
	v3 =	vmul.f32 v47, v43  }
0x11a: {  	v6 =	vadd.f32 v6, v7;
	v49 =	vmul.f32 v48, v9;
	v50 =	vshll.u32 v16, $0x10  }
0x11b: {  	v3 =	vadd.f32 v3, v8;
	v51 =	vmul.f32 v50, v17  }
0x11c: {  	v52 =	vpop (erf);
	v6 =	vadd.f32 v49, v6  }
0x11d: {  	v53 =	vmul.f32 v10, v52;
	v54 =	vpop (erf);
	v3 =	vadd.f32 v51, v3  }
0x11e: {  	v55 =	vld [tilespmem:s28+$0x9000];
	v6 =	vmul.f32 v6, v54;
	v56 =	vpop (erf)  }
0x11f: {  	v7 =	vmul.f32 v53, v52;
	v3 =	vmul.f32 v3, v56  }
0x120: {  	v2 =	vand.u32 $0xFFFF0000, v2;
	v4 =	vmul.f32 v4, v52;
	v6 =	vmul.f32 v6, v54  }
0x121: {  	v57 =	vand.u32 $0xFFFF0000, v5;
	v2 =	vsub.f32 v2, v7;
	v3 =	vmul.f32 v3, v56  }
0x122: {  	v59 =	vand.u32 $0xFFFF0000, v16;
	v58 =	vmul.f32 v42, v54;
	v5 =	vsub.f32 v57, v6  }
0x123: {  	v2 =	vmul.f32 v2, v4;
	v60 =	vmul.f32 v55, v56;
	v3 =	vsub.f32 v59, v3  }
0x124: {  	v5 =	vmul.f32 v5, v58  }
0x125: {  	v2 =	vmul.f32 $1.439964490e+01, v2;
	v3 =	vmul.f32 v3, v60  }
0x126: {  	vm13 =	vle.f32 v0, $8.999999760e-01;
	s19 =	smul.u32 $0x7D0, s24;
	v61 =	vmul.f32 $1.439964490e+01, v5  }
0x127: {  	vm14 =	vle.f32 v1, $8.999999760e-01;
	v2 =	vnsel vm13, $0x0, v2;
	v62 =	vmul.f32 $1.439964490e+01, v3  }
0x128: {  	p1 =	sgt.u32 s24, $0x61;
	vm15 =	vle.f32 v13, $8.999999760e-01;
	s23 =	sadd.s32 s11, s19;
	[tilespmem:s25+$0x9800] =	vst v2;
	v0 =	vnsel vm14, $0x0, v61  }
0x129: {  	s19 =	sadd.s32 @!p1 s19, s30;
	s23 =	sshrl.u32 s23, $0x3;
	[tilespmem:s26+$0x9800] =	vst v0;
	v63 =	vnsel vm15, $0x0, v62  }
0x12a: {  	s19 =	sshrl.u32 @!p1 s19, $0x3;
	s23 =	sadd.s32 s6, s23;
	[tilespmem:s28+$0x9800] =	vst v63  }
0x12b: {  	[hbm4b:s23+s10] =	stream.linear.scatter [tilespmem:s18], [sflag:$0x4], $0x7D0, $0x38;
	[tilespmem:$0xE950] =	vst v63  }
0x12c: {  	s25 =	simm.s32 @!p1 $0x0;
	s26 =	simm.s32 @!p1 $0x5000;
	s23 =	sadd.s32 @!p1 s3, s19  }
0x12d: {  	[tilespmem:s26], [sflag:$0x1] =	stream.linear.gather @!p1 [hbm4b:s23+s25], $0x7D0, $0x38;
	[tilespmem:$0xE950] =	vst v63  }
0x12e: {  	s23 =	sadd.s32 @!p1 s5, s19;
	s26 =	simm.s32 @!p1 $0x5800  }
0x12f: {  	[tilespmem:s26], [sflag:$0x1] =	stream.linear.gather @!p1 [hbm4b:s23+s25], $0x7D0, $0x38;
	[tilespmem:$0xE950] =	vst v63  }
0x130: {  	s23 =	sadd.s32 @!p1 s2, s19;
	s26 =	simm.s32 @!p1 $0x6000  }
0x131: {  	[tilespmem:s26], [sflag:$0x2] =	stream.linear.gather @!p1 [hbm4b:s23+s25], $0x7D0, $0x38;
	[tilespmem:$0xE950] =	vst v63  }
0x132: {  	s23 =	sadd.s32 @!p1 s12, s19;
	s26 =	simm.s32 @!p1 $0x6800  }
0x133: {  	[tilespmem:s26], [sflag:$0x2] =	stream.linear.gather @!p1 [hbm4b:s23+s25], $0x7D0, $0x38;
	[tilespmem:$0xE950] =	vst v63  }
.Ltmp8:
0x134: {  	_ = 	snop;
	(pc) =	sbr.rel .LBB2_9-.Ltmp8, $4  }
0x135: {  	s23 =	sadd.s32 @!p1 s13, s19;
	s26 =	simm.s32 @!p1 $0x7000  }
0x136: {  	[tilespmem:s26], [sflag:$0x2] =	stream.linear.gather @!p1 [hbm4b:s23+s25], $0x7D0, $0x38;
	[tilespmem:$0xE950] =	vst v63  }
0x137: {  	s19 =	sadd.s32 @!p1 s14, s19;
	s23 =	simm.s32 @!p1 $0x7800  }
0x138: {  	[tilespmem:s23], [sflag:$0x2] =	stream.linear.gather @!p1 [hbm4b:s19+s25], $0x7D0, $0x38;
	[tilespmem:$0xE950] =	vst v63  }
.LBB2_11:
0x139: {  	_ =	sfence.sel $0x180000  }
0x13a: {  	[bflag:$0x0] =	sbarrier.arrive $0xFFFF  }
0x13b: {  	_ =	strace $0x90000047  }
0x13c: {  	[bflag:$0x2] =	sbarrier.arrive $0xFFFF  }
0x13d: {  	s0 =	rddreg [dreg:$0x9]  }
0x13e: {  	s0 =	sadd.s32 @!p0 $0x100000, s0  }
0x13f: {  	[sflag:s0] =	ssyncadd.tile.s32 @!p0 $0x1;
	_ =	shalt  }
.Lfunc_end2:
_tile_overlayer_lowered:
.L_overlay_start_2:
0x140: {  	(tag) =	ssettag $0x2  }
0x141: {  	s0 =	rddreg [dreg:$0x0];
	s2 =	stileid.u32  }
0x142: {  	s1 =	rddreg [dreg:$0x1];
	p0 =	sne.s32 s2, $0x0  }
0x143: {  	s3 =	rddreg [dreg:$0x2];
	[bflag:$0x3] =	sbarrier.arrive $0xFFFF;
	s2 =	simm.s32 @!p0 $0x1C05  }
0x144: {  	[timem:s3], [sflag:s2] =	dma.local @!p0 [hbm:s0], s1  }
0x145: {  	s0 =	simm.s32 @!p0 $0x5  }
0x146: {  	_ =	swait.ge @!p0 [sflag:s0], s1  }
0x147: {  	s1 =	ssub.s32 @!p0 $0x0, s1;
	[sflag:s0] =	ssyncset.done @!p0 $0x0  }
0x148: {  	[sflag:s0] =	ssyncadd.s32 @!p0 s1  }
0x149: {  	[bflag:$0x3] =	sbarrier.arrive $0xFFFF  }
0x14a: {  	_ =	shalt  }

</sc_bundles>
